<compile_context>
chip_gen: v7x
topology: tpu7x:2x2x1
jax: 0.10.2.dev20260603
libtpu: 0.0.44.dev20260713+nightly
codegen_flags: <defaults>
</compile_context>

<pallas_src>
import functools

import jax
import jax.numpy as jnp
from jax import lax
from jax.experimental import pallas as pl
from jax.experimental.pallas import tpu as pltpu
from jax.experimental.pallas import tpu_sc as plsc

D = 128
N = 512
TOTAL = N * N
NW = 32
PER_W = TOTAL // NW
CHUNK = 64
NCHUNK = PER_W // CHUNK
NBUF = 8
L = 16


def _make_kernel():
    mesh = plsc.VectorSubcoreMesh(core_axis_name="c", subcore_axis_name="s")

    scratch = [
        pltpu.VMEM((PER_W,), jnp.int32),
        pltpu.VMEM((PER_W,), jnp.int32),
        pltpu.VMEM_SHARED((65, D), jnp.float32),
    ]
    scratch += [pltpu.VMEM((NBUF * CHUNK, D), jnp.float32)]
    scratch += [pltpu.SemaphoreType.DMA for _ in range(NBUF + NBUF // 2)]

    @functools.partial(
        pl.kernel,
        mesh=mesh,
        out_type=jax.ShapeDtypeStruct((TOTAL, D), jnp.float32),
        scratch_types=scratch,
    )
    def k(templ_hbm, mask_hbm, table_hbm, out_hbm, templ_v, idx_v, table_v,
          *bufs_and_sems):
        rows_all = bufs_and_sems[0]
        gsem = bufs_and_sems[1:1 + NBUF]
        ssem = bufs_and_sems[1 + NBUF:]
        wid = lax.axis_index("s") * 2 + lax.axis_index("c")
        base = wid * PER_W

        @pl.when(lax.axis_index("s") == 0)
        def _():
            pltpu.sync_copy(table_hbm, table_v)

        th = pltpu.async_copy(
            templ_hbm.at[pl.ds(base, PER_W)], templ_v, gsem[0])
        mh = pltpu.async_copy(
            mask_hbm.at[pl.ds(base, PER_W)], idx_v, gsem[1])
        th.wait()
        mh.wait()
        plsc.subcore_barrier()

        def compute_idx_span(e0):
            def body(j, carry):
                o = e0 + j * L
                t = templ_v[pl.ds(o, L)]
                m = idx_v[pl.ds(o, L)]
                idx_v[pl.ds(o, L)] = m * (t + 1)
                return carry
            lax.fori_loop(0, NBUF * CHUNK // L, body, 0)

        compute_idx_span(0)

        @pl.loop(0, NCHUNK, step=NBUF)
        def _(c0):
            handles = []
            for b in range(NBUF):
                if b % 2 == 0:
                    @pl.when(c0 > 0)
                    def _():
                        pltpu.make_async_copy(
                            rows_all.at[pl.ds(0, 2 * CHUNK)],
                            out_hbm.at[pl.ds(0, 2 * CHUNK)], ssem[b // 2]
                        ).wait()
                idx_c = idx_v.at[pl.ds((c0 + b) * CHUNK, CHUNK)]
                handles.append(
                    pltpu.async_copy(
                        table_v.at[idx_c],
                        rows_all.at[pl.ds(b * CHUNK, CHUNK)], gsem[b]))

            @pl.when(c0 + NBUF < NCHUNK)
            def _():
                compute_idx_span((c0 + NBUF) * CHUNK)

            for p in range(NBUF // 2):
                handles[2 * p].wait()
                handles[2 * p + 1].wait()
                pltpu.async_copy(
                    rows_all.at[pl.ds(2 * p * CHUNK, 2 * CHUNK)],
                    out_hbm.at[pl.ds(base + (c0 + 2 * p) * CHUNK, 2 * CHUNK)],
                    ssem[p],
                )
        for p in range(NBUF // 2):
            pltpu.make_async_copy(
                rows_all.at[pl.ds(0, 2 * CHUNK)],
                out_hbm.at[pl.ds(0, 2 * CHUNK)], ssem[p]
            ).wait()

    return k


_embed = _make_kernel()


def kernel(conditional_templ, conditional_templ_mask, table):
    out = _embed(conditional_templ.reshape(TOTAL),
                 conditional_templ_mask.reshape(TOTAL),
                 table)
    return out.reshape(N, N, D)

# --- scband reference (transcript-rebuilt; emitter-appended) ---
"""Pipeline reference for scband-condition-template-embedder-78022375899175 (READ-ONLY COPY).

The authoritative reference and input builder live on the scoring server;
editing this copy changes nothing except your own understanding.
"""

import jax, jax.numpy as jnp
import numpy as np

C_TEMPL_IN = 65
C_Z = 128
N = 512

def setup_inputs(seed: int = 0) -> dict:
    key = jax.random.key(seed)
    k1, k2, k3 = jax.random.split(key, 3)
    conditional_templ = jax.random.randint(k1, (N, N), 0, C_TEMPL_IN - 1, dtype=jnp.int64 if jax.config.jax_enable_x64 else jnp.int32).astype(jnp.int32)
    conditional_templ_mask = jax.random.randint(k2, (N, N), 0, 2, dtype=jnp.int32)
    # learned parameter: embedding table sized per init_kwargs (c_templ_in=65, c_z=128)
    table = jax.random.normal(k3, (C_TEMPL_IN, C_Z), dtype=jnp.float32)
    return {"conditional_templ": conditional_templ, "conditional_templ_mask": conditional_templ_mask, "table": table}

def reference(conditional_templ, conditional_templ_mask, table):
    # conditional_templ = pair_mask * (1 + conditional_templ)
    idx = conditional_templ_mask * (1 + conditional_templ)
    # nn.Embedding lookup -> gather rows of the table
    z_conditional_templ = jnp.take(table, idx, axis=0)
    return z_conditional_templ

if __name__ == "__main__":
    import jax
    _d = setup_inputs()
    print(jax.jit(kernel)(*tuple(_d.values())))

</pallas_src>

<mosaic_0001>
#map = affine_map<(d0, d1) -> (0)>
#map1 = affine_map<(d0, d1) -> (0, 0)>
module attributes {stable_mosaic.version = 14 : i64} {
  func.func @k(%arg0: i32, %arg1: i32, %arg2: memref<262144xi32, #tpu.memory_space<hbm>>, %arg3: memref<262144xi32, #tpu.memory_space<hbm>>, %arg4: memref<65x128xf32, #tpu.memory_space<hbm>>, %arg5: memref<262144x128xf32, #tpu.memory_space<hbm>>, %arg6: memref<8192xi32, #tpu.memory_space<vmem>>, %arg7: memref<8192xi32, #tpu.memory_space<vmem>>, %arg8: memref<65x128xf32, #tpu.memory_space<vmem_shared>>, %arg9: memref<512x128xf32, #tpu.memory_space<vmem>>, %arg10: memref<!tpu.dma_semaphore, #tpu.memory_space<semaphore_mem>>, %arg11: memref<!tpu.dma_semaphore, #tpu.memory_space<semaphore_mem>>, %arg12: memref<!tpu.dma_semaphore, #tpu.memory_space<semaphore_mem>>, %arg13: memref<!tpu.dma_semaphore, #tpu.memory_space<semaphore_mem>>, %arg14: memref<!tpu.dma_semaphore, #tpu.memory_space<semaphore_mem>>, %arg15: memref<!tpu.dma_semaphore, #tpu.memory_space<semaphore_mem>>, %arg16: memref<!tpu.dma_semaphore, #tpu.memory_space<semaphore_mem>>, %arg17: memref<!tpu.dma_semaphore, #tpu.memory_space<semaphore_mem>>, %arg18: memref<!tpu.dma_semaphore, #tpu.memory_space<semaphore_mem>>, %arg19: memref<!tpu.dma_semaphore, #tpu.memory_space<semaphore_mem>>, %arg20: memref<!tpu.dma_semaphore, #tpu.memory_space<semaphore_mem>>, %arg21: memref<!tpu.dma_semaphore, #tpu.memory_space<semaphore_mem>>) attributes {dimension_semantics = [#tpu.dimension_semantics<core_parallel>, #tpu.dimension_semantics<subcore_parallel>], iteration_bounds = array<i64: 2, 16>, scalar_prefetch = 0 : i64, scratch_operands = 16 : i64, tpu.core_type = #tpu.core_type<sc_vector_subcore>, window_params = [{transform_indices = #map}, {transform_indices = #map}, {transform_indices = #map1}, {transform_indices = #map1}]} {
    %mul3A = arith.constant 2 : i32
    %mul3A_0 = arith.muli %arg1, %mul3A : i32
    %add3A = arith.addi %mul3A_0, %arg0 : i32
    %mul3A_1 = arith.constant 8192 : i32
    %mul3A_2 = arith.muli %add3A, %mul3A_1 : i32
    %eq3A = arith.constant 0 : i32
    %eq3A_3 = arith.cmpi eq, %arg1, %eq3A : i32
    %convert_element_type3A = arith.extui %eq3A_3 : i1 to i32
    %cond3A = arith.constant 0 : i32
    %cond3A_4 = arith.cmpi ne, %convert_element_type3A, %cond3A : i32
    scf.if %cond3A_4 {
      "tpu.region"() ({
        %run_scoped3A = tpu.sem_alloc : memref<!tpu.dma_semaphore, #tpu.memory_space<semaphore_mem>>
        tpu.enqueue_dma source(%arg4 : memref<65x128xf32, #tpu.memory_space<hbm>>) target(%arg8 : memref<65x128xf32, #tpu.memory_space<vmem_shared>>) target_semaphore(%run_scoped3A : memref<!tpu.dma_semaphore, #tpu.memory_space<semaphore_mem>>)
        tpu.wait_dma2 semaphore(%run_scoped3A : memref<!tpu.dma_semaphore, #tpu.memory_space<semaphore_mem>>) src(%arg4 : memref<65x128xf32, #tpu.memory_space<hbm>>) dst(%arg8 : memref<65x128xf32, #tpu.memory_space<vmem_shared>>)
        tpu.yield
      }) : () -> ()
    } else {
    }
    %dma_start3A = tpu.memref_slice %arg2[%mul3A_2] : memref<262144xi32, #tpu.memory_space<hbm>> -> memref<8192xi32, #tpu.memory_space<hbm>>
    %dma_start3A_5 = tpu.memref_slice %arg2[%mul3A_2] : memref<262144xi32, #tpu.memory_space<hbm>> -> memref<8192xi32, #tpu.memory_space<hbm>>
    tpu.enqueue_dma source(%dma_start3A_5 : memref<8192xi32, #tpu.memory_space<hbm>>) target(%arg6 : memref<8192xi32, #tpu.memory_space<vmem>>) target_semaphore(%arg10 : memref<!tpu.dma_semaphore, #tpu.memory_space<semaphore_mem>>)
    %dma_start3A_6 = tpu.memref_slice %arg3[%mul3A_2] : memref<262144xi32, #tpu.memory_space<hbm>> -> memref<8192xi32, #tpu.memory_space<hbm>>
    %dma_start3A_7 = tpu.memref_slice %arg3[%mul3A_2] : memref<262144xi32, #tpu.memory_space<hbm>> -> memref<8192xi32, #tpu.memory_space<hbm>>
    tpu.enqueue_dma source(%dma_start3A_7 : memref<8192xi32, #tpu.memory_space<hbm>>) target(%arg7 : memref<8192xi32, #tpu.memory_space<vmem>>) target_semaphore(%arg11 : memref<!tpu.dma_semaphore, #tpu.memory_space<semaphore_mem>>)
    %dma_wait3A = tpu.memref_slice %arg2[%mul3A_2] : memref<262144xi32, #tpu.memory_space<hbm>> -> memref<8192xi32, #tpu.memory_space<hbm>>
    %dma_wait3A_8 = tpu.memref_slice %arg2[%mul3A_2] : memref<262144xi32, #tpu.memory_space<hbm>> -> memref<8192xi32, #tpu.memory_space<hbm>>
    tpu.wait_dma2 semaphore(%arg10 : memref<!tpu.dma_semaphore, #tpu.memory_space<semaphore_mem>>) src(%dma_wait3A_8 : memref<8192xi32, #tpu.memory_space<hbm>>) dst(%arg6 : memref<8192xi32, #tpu.memory_space<vmem>>)
    %dma_wait3A_9 = tpu.memref_slice %arg3[%mul3A_2] : memref<262144xi32, #tpu.memory_space<hbm>> -> memref<8192xi32, #tpu.memory_space<hbm>>
    %dma_wait3A_10 = tpu.memref_slice %arg3[%mul3A_2] : memref<262144xi32, #tpu.memory_space<hbm>> -> memref<8192xi32, #tpu.memory_space<hbm>>
    tpu.wait_dma2 semaphore(%arg11 : memref<!tpu.dma_semaphore, #tpu.memory_space<semaphore_mem>>) src(%dma_wait3A_10 : memref<8192xi32, #tpu.memory_space<hbm>>) dst(%arg7 : memref<8192xi32, #tpu.memory_space<vmem>>)
    %barrier3A = arith.constant 0 : index
    tpu.barrier barrier_id(%barrier3A)
    %scan3A = arith.constant 0 : i32
    %scan3A_11 = arith.constant 0 : i32
    %scan3A_12 = arith.constant 32 : i32
    %scan3A_13 = arith.addi %scan3A_11, %scan3A_12 : i32
    %scan3A_14 = arith.constant 1 : i32
    scf.for %scan3A_69 = %scan3A_11 to %scan3A_13 step %scan3A_14  : i32 {
      %mul3A_70 = arith.constant 16 : i32
      %mul3A_71 = arith.muli %scan3A_69, %mul3A_70 : i32
      %add3A_72 = arith.constant 0 : i32
      %add3A_73 = arith.addi %add3A_72, %mul3A_71 : i32
      %get3A = arith.index_cast %add3A_73 : i32 to index
      %get3A_74 = tpu.vector_load %arg6[%get3A] {strides = array<i32>} : memref<8192xi32, #tpu.memory_space<vmem>>, vector<16xi32>,
      %get3A_75 = vector.shape_cast %get3A_74 : vector<16xi32> to vector<16xi32>
      %get3A_76 = arith.index_cast %add3A_73 : i32 to index
      %get3A_77 = tpu.vector_load %arg7[%get3A_76] {strides = array<i32>} : memref<8192xi32, #tpu.memory_space<vmem>>, vector<16xi32>,
      %get3A_78 = vector.shape_cast %get3A_77 : vector<16xi32> to vector<16xi32>
      %add3A_79 = arith.constant 1 : i32
      %add3A_80 = vector.broadcast %add3A_79 : i32 to vector<16xi32>
      %add3A_81 = arith.addi %get3A_75, %add3A_80 : vector<16xi32>
      %mul3A_82 = arith.muli %get3A_78, %add3A_81 : vector<16xi32>
      %swap3A = arith.index_cast %add3A_73 : i32 to index
      %swap3A_83 = tpu.vector_load %arg7[%swap3A] {strides = array<i32>} : memref<8192xi32, #tpu.memory_space<vmem>>, vector<16xi32>,
      %swap3A_84 = vector.shape_cast %swap3A_83 : vector<16xi32> to vector<16xi32>
      %swap3A_85 = vector.shape_cast %mul3A_82 : vector<16xi32> to vector<16xi32>
      tpu.vector_store %arg7[%swap3A], %swap3A_85 {strides = array<i32>} : memref<8192xi32, #tpu.memory_space<vmem>>, vector<16xi32>,
    }
    %scan3A_15 = arith.constant 32 : i32
    %scan3A_16 = arith.constant 0 : i32
    %scan3A_17 = arith.constant 16 : i32
    %scan3A_18 = arith.addi %scan3A_16, %scan3A_17 : i32
    %scan3A_19 = arith.constant 1 : i32
    scf.for %scan3A_69 = %scan3A_16 to %scan3A_18 step %scan3A_19  : i32 {
      %mul3A_70 = arith.constant 8 : i32
      %mul3A_71 = arith.muli %scan3A_69, %mul3A_70 : i32
      %add3A_72 = arith.constant 0 : i32
      %add3A_73 = arith.addi %add3A_72, %mul3A_71 : i32
      %gt3A = arith.constant 0 : i32
      %gt3A_74 = arith.cmpi sgt, %add3A_73, %gt3A : i32
      %convert_element_type3A_75 = arith.extui %gt3A_74 : i1 to i32
      %cond3A_76 = arith.constant 0 : i32
      %cond3A_77 = arith.cmpi ne, %convert_element_type3A_75, %cond3A_76 : i32
      scf.if %cond3A_77 {
        %dma_wait3A_303 = arith.constant 0 : i32
        %dma_wait3A_304 = arith.constant 0 : i32
        %dma_wait3A_305 = tpu.memref_slice %arg9[%dma_wait3A_303, %dma_wait3A_304] : memref<512x128xf32, #tpu.memory_space<vmem>> -> memref<128x128xf32, #tpu.memory_space<vmem>>
        %dma_wait3A_306 = arith.constant 0 : i32
        %dma_wait3A_307 = arith.constant 0 : i32
        %dma_wait3A_308 = tpu.memref_slice %arg5[%dma_wait3A_306, %dma_wait3A_307] : memref<262144x128xf32, #tpu.memory_space<hbm>> -> memref<128x128xf32, #tpu.memory_space<hbm>>
        %dma_wait3A_309 = arith.constant 0 : i32
        %dma_wait3A_310 = arith.constant 0 : i32
        %dma_wait3A_311 = tpu.memref_slice %arg5[%dma_wait3A_309, %dma_wait3A_310] : memref<262144x128xf32, #tpu.memory_space<hbm>> -> memref<128x128xf32, #tpu.memory_space<hbm>>
        %dma_wait3A_312 = arith.constant 0 : i32
        %dma_wait3A_313 = arith.constant 0 : i32
        %dma_wait3A_314 = tpu.memref_slice %arg9[%dma_wait3A_312, %dma_wait3A_313] : memref<512x128xf32, #tpu.memory_space<vmem>> -> memref<128x128xf32, #tpu.memory_space<vmem>>
        tpu.wait_dma2 semaphore(%arg18 : memref<!tpu.dma_semaphore, #tpu.memory_space<semaphore_mem>>) src(%dma_wait3A_314 : memref<128x128xf32, #tpu.memory_space<vmem>>) dst(%dma_wait3A_311 : memref<128x128xf32, #tpu.memory_space<hbm>>)
      } else {
      }
      %add3A_78 = arith.constant 0 : i32
      %add3A_79 = arith.addi %add3A_73, %add3A_78 : i32
      %mul3A_80 = arith.constant 64 : i32
      %mul3A_81 = arith.muli %add3A_79, %mul3A_80 : i32
      %dma_start3A_82 = arith.constant 0 : i32
      %dma_start3A_83 = arith.constant 0 : i32
      %dma_start3A_84 = tpu.memref_slice %arg9[%dma_start3A_82, %dma_start3A_83] : memref<512x128xf32, #tpu.memory_space<vmem>> -> memref<64x128xf32, #tpu.memory_space<vmem>>
      %dma_start3A_85 = tpu.memref_slice %arg7[%mul3A_81] : memref<8192xi32, #tpu.memory_space<vmem>> -> memref<64xi32, #tpu.memory_space<vmem>>
      %dma_start3A_86 = arith.constant 0 : i32
      %dma_start3A_87 = arith.constant 0 : i32
      %dma_start3A_88 = tpu.memref_slice %arg8[%dma_start3A_86, %dma_start3A_87] : memref<65x128xf32, #tpu.memory_space<vmem_shared>> -> memref<65x128xf32, #tpu.memory_space<vmem_shared>>
      tpu.enqueue_indirect_dma source(%dma_start3A_88 : memref<65x128xf32, #tpu.memory_space<vmem_shared>>) target(%dma_start3A_84 : memref<64x128xf32, #tpu.memory_space<vmem>>) offsets(%dma_start3A_85 : memref<64xi32, #tpu.memory_space<vmem>>) semaphore(%arg10 : memref<!tpu.dma_semaphore, #tpu.memory_space<semaphore_mem>>)
      %add3A_89 = arith.constant 1 : i32
      %add3A_90 = arith.addi %add3A_73, %add3A_89 : i32
      %mul3A_91 = arith.constant 64 : i32
      %mul3A_92 = arith.muli %add3A_90, %mul3A_91 : i32
      %dma_start3A_93 = arith.constant 64 : i32
      %dma_start3A_94 = arith.constant 0 : i32
      %dma_start3A_95 = tpu.memref_slice %arg9[%dma_start3A_93, %dma_start3A_94] : memref<512x128xf32, #tpu.memory_space<vmem>> -> memref<64x128xf32, #tpu.memory_space<vmem>>
      %dma_start3A_96 = tpu.memref_slice %arg7[%mul3A_92] : memref<8192xi32, #tpu.memory_space<vmem>> -> memref<64xi32, #tpu.memory_space<vmem>>
      %dma_start3A_97 = arith.constant 0 : i32
      %dma_start3A_98 = arith.constant 0 : i32
      %dma_start3A_99 = tpu.memref_slice %arg8[%dma_start3A_97, %dma_start3A_98] : memref<65x128xf32, #tpu.memory_space<vmem_shared>> -> memref<65x128xf32, #tpu.memory_space<vmem_shared>>
      tpu.enqueue_indirect_dma source(%dma_start3A_99 : memref<65x128xf32, #tpu.memory_space<vmem_shared>>) target(%dma_start3A_95 : memref<64x128xf32, #tpu.memory_space<vmem>>) offsets(%dma_start3A_96 : memref<64xi32, #tpu.memory_space<vmem>>) semaphore(%arg11 : memref<!tpu.dma_semaphore, #tpu.memory_space<semaphore_mem>>)
      %gt3A_100 = arith.constant 0 : i32
      %gt3A_101 = arith.cmpi sgt, %add3A_73, %gt3A_100 : i32
      %convert_element_type3A_102 = arith.extui %gt3A_101 : i1 to i32
      %cond3A_103 = arith.constant 0 : i32
      %cond3A_104 = arith.cmpi ne, %convert_element_type3A_102, %cond3A_103 : i32
      scf.if %cond3A_104 {
        %dma_wait3A_303 = arith.constant 0 : i32
        %dma_wait3A_304 = arith.constant 0 : i32
        %dma_wait3A_305 = tpu.memref_slice %arg9[%dma_wait3A_303, %dma_wait3A_304] : memref<512x128xf32, #tpu.memory_space<vmem>> -> memref<128x128xf32, #tpu.memory_space<vmem>>
        %dma_wait3A_306 = arith.constant 0 : i32
        %dma_wait3A_307 = arith.constant 0 : i32
        %dma_wait3A_308 = tpu.memref_slice %arg5[%dma_wait3A_306, %dma_wait3A_307] : memref<262144x128xf32, #tpu.memory_space<hbm>> -> memref<128x128xf32, #tpu.memory_space<hbm>>
        %dma_wait3A_309 = arith.constant 0 : i32
        %dma_wait3A_310 = arith.constant 0 : i32
        %dma_wait3A_311 = tpu.memref_slice %arg5[%dma_wait3A_309, %dma_wait3A_310] : memref<262144x128xf32, #tpu.memory_space<hbm>> -> memref<128x128xf32, #tpu.memory_space<hbm>>
        %dma_wait3A_312 = arith.constant 0 : i32
        %dma_wait3A_313 = arith.constant 0 : i32
        %dma_wait3A_314 = tpu.memref_slice %arg9[%dma_wait3A_312, %dma_wait3A_313] : memref<512x128xf32, #tpu.memory_space<vmem>> -> memref<128x128xf32, #tpu.memory_space<vmem>>
        tpu.wait_dma2 semaphore(%arg19 : memref<!tpu.dma_semaphore, #tpu.memory_space<semaphore_mem>>) src(%dma_wait3A_314 : memref<128x128xf32, #tpu.memory_space<vmem>>) dst(%dma_wait3A_311 : memref<128x128xf32, #tpu.memory_space<hbm>>)
      } else {
      }
      %add3A_105 = arith.constant 2 : i32
      %add3A_106 = arith.addi %add3A_73, %add3A_105 : i32
      %mul3A_107 = arith.constant 64 : i32
      %mul3A_108 = arith.muli %add3A_106, %mul3A_107 : i32
      %dma_start3A_109 = arith.constant 128 : i32
      %dma_start3A_110 = arith.constant 0 : i32
      %dma_start3A_111 = tpu.memref_slice %arg9[%dma_start3A_109, %dma_start3A_110] : memref<512x128xf32, #tpu.memory_space<vmem>> -> memref<64x128xf32, #tpu.memory_space<vmem>>
      %dma_start3A_112 = tpu.memref_slice %arg7[%mul3A_108] : memref<8192xi32, #tpu.memory_space<vmem>> -> memref<64xi32, #tpu.memory_space<vmem>>
      %dma_start3A_113 = arith.constant 0 : i32
      %dma_start3A_114 = arith.constant 0 : i32
      %dma_start3A_115 = tpu.memref_slice %arg8[%dma_start3A_113, %dma_start3A_114] : memref<65x128xf32, #tpu.memory_space<vmem_shared>> -> memref<65x128xf32, #tpu.memory_space<vmem_shared>>
      tpu.enqueue_indirect_dma source(%dma_start3A_115 : memref<65x128xf32, #tpu.memory_space<vmem_shared>>) target(%dma_start3A_111 : memref<64x128xf32, #tpu.memory_space<vmem>>) offsets(%dma_start3A_112 : memref<64xi32, #tpu.memory_space<vmem>>) semaphore(%arg12 : memref<!tpu.dma_semaphore, #tpu.memory_space<semaphore_mem>>)
      %add3A_116 = arith.constant 3 : i32
      %add3A_117 = arith.addi %add3A_73, %add3A_116 : i32
      %mul3A_118 = arith.constant 64 : i32
      %mul3A_119 = arith.muli %add3A_117, %mul3A_118 : i32
      %dma_start3A_120 = arith.constant 192 : i32
      %dma_start3A_121 = arith.constant 0 : i32
      %dma_start3A_122 = tpu.memref_slice %arg9[%dma_start3A_120, %dma_start3A_121] : memref<512x128xf32, #tpu.memory_space<vmem>> -> memref<64x128xf32, #tpu.memory_space<vmem>>
      %dma_start3A_123 = tpu.memref_slice %arg7[%mul3A_119] : memref<8192xi32, #tpu.memory_space<vmem>> -> memref<64xi32, #tpu.memory_space<vmem>>
      %dma_start3A_124 = arith.constant 0 : i32
      %dma_start3A_125 = arith.constant 0 : i32
      %dma_start3A_126 = tpu.memref_slice %arg8[%dma_start3A_124, %dma_start3A_125] : memref<65x128xf32, #tpu.memory_space<vmem_shared>> -> memref<65x128xf32, #tpu.memory_space<vmem_shared>>
      tpu.enqueue_indirect_dma source(%dma_start3A_126 : memref<65x128xf32, #tpu.memory_space<vmem_shared>>) target(%dma_start3A_122 : memref<64x128xf32, #tpu.memory_space<vmem>>) offsets(%dma_start3A_123 : memref<64xi32, #tpu.memory_space<vmem>>) semaphore(%arg13 : memref<!tpu.dma_semaphore, #tpu.memory_space<semaphore_mem>>)
      %gt3A_127 = arith.constant 0 : i32
      %gt3A_128 = arith.cmpi sgt, %add3A_73, %gt3A_127 : i32
      %convert_element_type3A_129 = arith.extui %gt3A_128 : i1 to i32
      %cond3A_130 = arith.constant 0 : i32
      %cond3A_131 = arith.cmpi ne, %convert_element_type3A_129, %cond3A_130 : i32
      scf.if %cond3A_131 {
        %dma_wait3A_303 = arith.constant 0 : i32
        %dma_wait3A_304 = arith.constant 0 : i32
        %dma_wait3A_305 = tpu.memref_slice %arg9[%dma_wait3A_303, %dma_wait3A_304] : memref<512x128xf32, #tpu.memory_space<vmem>> -> memref<128x128xf32, #tpu.memory_space<vmem>>
        %dma_wait3A_306 = arith.constant 0 : i32
        %dma_wait3A_307 = arith.constant 0 : i32
        %dma_wait3A_308 = tpu.memref_slice %arg5[%dma_wait3A_306, %dma_wait3A_307] : memref<262144x128xf32, #tpu.memory_space<hbm>> -> memref<128x128xf32, #tpu.memory_space<hbm>>
        %dma_wait3A_309 = arith.constant 0 : i32
        %dma_wait3A_310 = arith.constant 0 : i32
        %dma_wait3A_311 = tpu.memref_slice %arg5[%dma_wait3A_309, %dma_wait3A_310] : memref<262144x128xf32, #tpu.memory_space<hbm>> -> memref<128x128xf32, #tpu.memory_space<hbm>>
        %dma_wait3A_312 = arith.constant 0 : i32
        %dma_wait3A_313 = arith.constant 0 : i32
        %dma_wait3A_314 = tpu.memref_slice %arg9[%dma_wait3A_312, %dma_wait3A_313] : memref<512x128xf32, #tpu.memory_space<vmem>> -> memref<128x128xf32, #tpu.memory_space<vmem>>
        tpu.wait_dma2 semaphore(%arg20 : memref<!tpu.dma_semaphore, #tpu.memory_space<semaphore_mem>>) src(%dma_wait3A_314 : memref<128x128xf32, #tpu.memory_space<vmem>>) dst(%dma_wait3A_311 : memref<128x128xf32, #tpu.memory_space<hbm>>)
      } else {
      }
      %add3A_132 = arith.constant 4 : i32
      %add3A_133 = arith.addi %add3A_73, %add3A_132 : i32
      %mul3A_134 = arith.constant 64 : i32
      %mul3A_135 = arith.muli %add3A_133, %mul3A_134 : i32
      %dma_start3A_136 = arith.constant 256 : i32
      %dma_start3A_137 = arith.constant 0 : i32
      %dma_start3A_138 = tpu.memref_slice %arg9[%dma_start3A_136, %dma_start3A_137] : memref<512x128xf32, #tpu.memory_space<vmem>> -> memref<64x128xf32, #tpu.memory_space<vmem>>
      %dma_start3A_139 = tpu.memref_slice %arg7[%mul3A_135] : memref<8192xi32, #tpu.memory_space<vmem>> -> memref<64xi32, #tpu.memory_space<vmem>>
      %dma_start3A_140 = arith.constant 0 : i32
      %dma_start3A_141 = arith.constant 0 : i32
      %dma_start3A_142 = tpu.memref_slice %arg8[%dma_start3A_140, %dma_start3A_141] : memref<65x128xf32, #tpu.memory_space<vmem_shared>> -> memref<65x128xf32, #tpu.memory_space<vmem_shared>>
      tpu.enqueue_indirect_dma source(%dma_start3A_142 : memref<65x128xf32, #tpu.memory_space<vmem_shared>>) target(%dma_start3A_138 : memref<64x128xf32, #tpu.memory_space<vmem>>) offsets(%dma_start3A_139 : memref<64xi32, #tpu.memory_space<vmem>>) semaphore(%arg14 : memref<!tpu.dma_semaphore, #tpu.memory_space<semaphore_mem>>)
      %add3A_143 = arith.constant 5 : i32
      %add3A_144 = arith.addi %add3A_73, %add3A_143 : i32
      %mul3A_145 = arith.constant 64 : i32
      %mul3A_146 = arith.muli %add3A_144, %mul3A_145 : i32
      %dma_start3A_147 = arith.constant 320 : i32
      %dma_start3A_148 = arith.constant 0 : i32
      %dma_start3A_149 = tpu.memref_slice %arg9[%dma_start3A_147, %dma_start3A_148] : memref<512x128xf32, #tpu.memory_space<vmem>> -> memref<64x128xf32, #tpu.memory_space<vmem>>
      %dma_start3A_150 = tpu.memref_slice %arg7[%mul3A_146] : memref<8192xi32, #tpu.memory_space<vmem>> -> memref<64xi32, #tpu.memory_space<vmem>>
      %dma_start3A_151 = arith.constant 0 : i32
      %dma_start3A_152 = arith.constant 0 : i32
      %dma_start3A_153 = tpu.memref_slice %arg8[%dma_start3A_151, %dma_start3A_152] : memref<65x128xf32, #tpu.memory_space<vmem_shared>> -> memref<65x128xf32, #tpu.memory_space<vmem_shared>>
      tpu.enqueue_indirect_dma source(%dma_start3A_153 : memref<65x128xf32, #tpu.memory_space<vmem_shared>>) target(%dma_start3A_149 : memref<64x128xf32, #tpu.memory_space<vmem>>) offsets(%dma_start3A_150 : memref<64xi32, #tpu.memory_space<vmem>>) semaphore(%arg15 : memref<!tpu.dma_semaphore, #tpu.memory_space<semaphore_mem>>)
      %gt3A_154 = arith.constant 0 : i32
      %gt3A_155 = arith.cmpi sgt, %add3A_73, %gt3A_154 : i32
      %convert_element_type3A_156 = arith.extui %gt3A_155 : i1 to i32
      %cond3A_157 = arith.constant 0 : i32
      %cond3A_158 = arith.cmpi ne, %convert_element_type3A_156, %cond3A_157 : i32
      scf.if %cond3A_158 {
        %dma_wait3A_303 = arith.constant 0 : i32
        %dma_wait3A_304 = arith.constant 0 : i32
        %dma_wait3A_305 = tpu.memref_slice %arg9[%dma_wait3A_303, %dma_wait3A_304] : memref<512x128xf32, #tpu.memory_space<vmem>> -> memref<128x128xf32, #tpu.memory_space<vmem>>
        %dma_wait3A_306 = arith.constant 0 : i32
        %dma_wait3A_307 = arith.constant 0 : i32
        %dma_wait3A_308 = tpu.memref_slice %arg5[%dma_wait3A_306, %dma_wait3A_307] : memref<262144x128xf32, #tpu.memory_space<hbm>> -> memref<128x128xf32, #tpu.memory_space<hbm>>
        %dma_wait3A_309 = arith.constant 0 : i32
        %dma_wait3A_310 = arith.constant 0 : i32
        %dma_wait3A_311 = tpu.memref_slice %arg5[%dma_wait3A_309, %dma_wait3A_310] : memref<262144x128xf32, #tpu.memory_space<hbm>> -> memref<128x128xf32, #tpu.memory_space<hbm>>
        %dma_wait3A_312 = arith.constant 0 : i32
        %dma_wait3A_313 = arith.constant 0 : i32
        %dma_wait3A_314 = tpu.memref_slice %arg9[%dma_wait3A_312, %dma_wait3A_313] : memref<512x128xf32, #tpu.memory_space<vmem>> -> memref<128x128xf32, #tpu.memory_space<vmem>>
        tpu.wait_dma2 semaphore(%arg21 : memref<!tpu.dma_semaphore, #tpu.memory_space<semaphore_mem>>) src(%dma_wait3A_314 : memref<128x128xf32, #tpu.memory_space<vmem>>) dst(%dma_wait3A_311 : memref<128x128xf32, #tpu.memory_space<hbm>>)
      } else {
      }
      %add3A_159 = arith.constant 6 : i32
      %add3A_160 = arith.addi %add3A_73, %add3A_159 : i32
      %mul3A_161 = arith.constant 64 : i32
      %mul3A_162 = arith.muli %add3A_160, %mul3A_161 : i32
      %dma_start3A_163 = arith.constant 384 : i32
      %dma_start3A_164 = arith.constant 0 : i32
      %dma_start3A_165 = tpu.memref_slice %arg9[%dma_start3A_163, %dma_start3A_164] : memref<512x128xf32, #tpu.memory_space<vmem>> -> memref<64x128xf32, #tpu.memory_space<vmem>>
      %dma_start3A_166 = tpu.memref_slice %arg7[%mul3A_162] : memref<8192xi32, #tpu.memory_space<vmem>> -> memref<64xi32, #tpu.memory_space<vmem>>
      %dma_start3A_167 = arith.constant 0 : i32
      %dma_start3A_168 = arith.constant 0 : i32
      %dma_start3A_169 = tpu.memref_slice %arg8[%dma_start3A_167, %dma_start3A_168] : memref<65x128xf32, #tpu.memory_space<vmem_shared>> -> memref<65x128xf32, #tpu.memory_space<vmem_shared>>
      tpu.enqueue_indirect_dma source(%dma_start3A_169 : memref<65x128xf32, #tpu.memory_space<vmem_shared>>) target(%dma_start3A_165 : memref<64x128xf32, #tpu.memory_space<vmem>>) offsets(%dma_start3A_166 : memref<64xi32, #tpu.memory_space<vmem>>) semaphore(%arg16 : memref<!tpu.dma_semaphore, #tpu.memory_space<semaphore_mem>>)
      %add3A_170 = arith.constant 7 : i32
      %add3A_171 = arith.addi %add3A_73, %add3A_170 : i32
      %mul3A_172 = arith.constant 64 : i32
      %mul3A_173 = arith.muli %add3A_171, %mul3A_172 : i32
      %dma_start3A_174 = arith.constant 448 : i32
      %dma_start3A_175 = arith.constant 0 : i32
      %dma_start3A_176 = tpu.memref_slice %arg9[%dma_start3A_174, %dma_start3A_175] : memref<512x128xf32, #tpu.memory_space<vmem>> -> memref<64x128xf32, #tpu.memory_space<vmem>>
      %dma_start3A_177 = tpu.memref_slice %arg7[%mul3A_173] : memref<8192xi32, #tpu.memory_space<vmem>> -> memref<64xi32, #tpu.memory_space<vmem>>
      %dma_start3A_178 = arith.constant 0 : i32
      %dma_start3A_179 = arith.constant 0 : i32
      %dma_start3A_180 = tpu.memref_slice %arg8[%dma_start3A_178, %dma_start3A_179] : memref<65x128xf32, #tpu.memory_space<vmem_shared>> -> memref<65x128xf32, #tpu.memory_space<vmem_shared>>
      tpu.enqueue_indirect_dma source(%dma_start3A_180 : memref<65x128xf32, #tpu.memory_space<vmem_shared>>) target(%dma_start3A_176 : memref<64x128xf32, #tpu.memory_space<vmem>>) offsets(%dma_start3A_177 : memref<64xi32, #tpu.memory_space<vmem>>) semaphore(%arg17 : memref<!tpu.dma_semaphore, #tpu.memory_space<semaphore_mem>>)
      %add3A_181 = arith.constant 8 : i32
      %add3A_182 = arith.addi %add3A_73, %add3A_181 : i32
      %lt3A = arith.constant 128 : i32
      %lt3A_183 = arith.cmpi slt, %add3A_182, %lt3A : i32
      %convert_element_type3A_184 = arith.extui %lt3A_183 : i1 to i32
      %cond3A_185 = arith.constant 0 : i32
      %cond3A_186 = arith.cmpi ne, %convert_element_type3A_184, %cond3A_185 : i32
      scf.if %cond3A_186 {
        %add3A_303 = arith.constant 8 : i32
        %add3A_304 = arith.addi %add3A_73, %add3A_303 : i32
        %mul3A_305 = arith.constant 64 : i32
        %mul3A_306 = arith.muli %add3A_304, %mul3A_305 : i32
        %scan3A_307 = arith.constant 0 : i32
        %scan3A_308 = arith.constant 0 : i32
        %scan3A_309 = arith.constant 32 : i32
        %scan3A_310 = arith.addi %scan3A_308, %scan3A_309 : i32
        %scan3A_311 = arith.constant 1 : i32
        scf.for %scan3A_313 = %scan3A_308 to %scan3A_310 step %scan3A_311  : i32 {
          %mul3A_314 = arith.constant 16 : i32
          %mul3A_315 = arith.muli %scan3A_313, %mul3A_314 : i32
          %add3A_316 = arith.addi %mul3A_306, %mul3A_315 : i32
          %get3A = arith.index_cast %add3A_316 : i32 to index
          %get3A_317 = tpu.vector_load %arg6[%get3A] {strides = array<i32>} : memref<8192xi32, #tpu.memory_space<vmem>>, vector<16xi32>,
          %get3A_318 = vector.shape_cast %get3A_317 : vector<16xi32> to vector<16xi32>
          %get3A_319 = arith.index_cast %add3A_316 : i32 to index
          %get3A_320 = tpu.vector_load %arg7[%get3A_319] {strides = array<i32>} : memref<8192xi32, #tpu.memory_space<vmem>>, vector<16xi32>,
          %get3A_321 = vector.shape_cast %get3A_320 : vector<16xi32> to vector<16xi32>
          %add3A_322 = arith.constant 1 : i32
          %add3A_323 = vector.broadcast %add3A_322 : i32 to vector<16xi32>
          %add3A_324 = arith.addi %get3A_318, %add3A_323 : vector<16xi32>
          %mul3A_325 = arith.muli %get3A_321, %add3A_324 : vector<16xi32>
          %swap3A = arith.index_cast %add3A_316 : i32 to index
          %swap3A_326 = tpu.vector_load %arg7[%swap3A] {strides = array<i32>} : memref<8192xi32, #tpu.memory_space<vmem>>, vector<16xi32>,
          %swap3A_327 = vector.shape_cast %swap3A_326 : vector<16xi32> to vector<16xi32>
          %swap3A_328 = vector.shape_cast %mul3A_325 : vector<16xi32> to vector<16xi32>
          tpu.vector_store %arg7[%swap3A], %swap3A_328 {strides = array<i32>} : memref<8192xi32, #tpu.memory_space<vmem>>, vector<16xi32>,
        }
        %scan3A_312 = arith.constant 32 : i32
      } else {
      }
      %dma_wait3A_187 = arith.constant 0 : i32
      %dma_wait3A_188 = arith.constant 0 : i32
      %dma_wait3A_189 = tpu.memref_slice %arg9[%dma_wait3A_187, %dma_wait3A_188] : memref<512x128xf32, #tpu.memory_space<vmem>> -> memref<64x128xf32, #tpu.memory_space<vmem>>
      %dma_wait3A_190 = tpu.memref_slice %arg7[%mul3A_81] : memref<8192xi32, #tpu.memory_space<vmem>> -> memref<64xi32, #tpu.memory_space<vmem>>
      %dma_wait3A_191 = arith.constant 0 : i32
      %dma_wait3A_192 = arith.constant 0 : i32
      %dma_wait3A_193 = tpu.memref_slice %arg8[%dma_wait3A_191, %dma_wait3A_192] : memref<65x128xf32, #tpu.memory_space<vmem_shared>> -> memref<65x128xf32, #tpu.memory_space<vmem_shared>>
      tpu.wait_indirect_dma semaphore(%arg10 : memref<!tpu.dma_semaphore, #tpu.memory_space<semaphore_mem>>) src(%dma_wait3A_193 : memref<65x128xf32, #tpu.memory_space<vmem_shared>>) dst(%dma_wait3A_189 : memref<64x128xf32, #tpu.memory_space<vmem>>)
      %dma_wait3A_194 = arith.constant 64 : i32
      %dma_wait3A_195 = arith.constant 0 : i32
      %dma_wait3A_196 = tpu.memref_slice %arg9[%dma_wait3A_194, %dma_wait3A_195] : memref<512x128xf32, #tpu.memory_space<vmem>> -> memref<64x128xf32, #tpu.memory_space<vmem>>
      %dma_wait3A_197 = tpu.memref_slice %arg7[%mul3A_92] : memref<8192xi32, #tpu.memory_space<vmem>> -> memref<64xi32, #tpu.memory_space<vmem>>
      %dma_wait3A_198 = arith.constant 0 : i32
      %dma_wait3A_199 = arith.constant 0 : i32
      %dma_wait3A_200 = tpu.memref_slice %arg8[%dma_wait3A_198, %dma_wait3A_199] : memref<65x128xf32, #tpu.memory_space<vmem_shared>> -> memref<65x128xf32, #tpu.memory_space<vmem_shared>>
      tpu.wait_indirect_dma semaphore(%arg11 : memref<!tpu.dma_semaphore, #tpu.memory_space<semaphore_mem>>) src(%dma_wait3A_200 : memref<65x128xf32, #tpu.memory_space<vmem_shared>>) dst(%dma_wait3A_196 : memref<64x128xf32, #tpu.memory_space<vmem>>)
      %add3A_201 = arith.constant 0 : i32
      %add3A_202 = arith.addi %add3A_73, %add3A_201 : i32
      %mul3A_203 = arith.constant 64 : i32
      %mul3A_204 = arith.muli %add3A_202, %mul3A_203 : i32
      %add3A_205 = arith.addi %mul3A_2, %mul3A_204 : i32
      %dma_start3A_206 = arith.constant 0 : i32
      %dma_start3A_207 = arith.constant 0 : i32
      %dma_start3A_208 = tpu.memref_slice %arg9[%dma_start3A_206, %dma_start3A_207] : memref<512x128xf32, #tpu.memory_space<vmem>> -> memref<128x128xf32, #tpu.memory_space<vmem>>
      %dma_start3A_209 = arith.constant 0 : i32
      %dma_start3A_210 = tpu.memref_slice %arg5[%add3A_205, %dma_start3A_209] : memref<262144x128xf32, #tpu.memory_space<hbm>> -> memref<128x128xf32, #tpu.memory_space<hbm>>
      %dma_start3A_211 = arith.constant 0 : i32
      %dma_start3A_212 = tpu.memref_slice %arg5[%add3A_205, %dma_start3A_211] : memref<262144x128xf32, #tpu.memory_space<hbm>> -> memref<128x128xf32, #tpu.memory_space<hbm>>
      %dma_start3A_213 = arith.constant 0 : i32
      %dma_start3A_214 = arith.constant 0 : i32
      %dma_start3A_215 = tpu.memref_slice %arg9[%dma_start3A_213, %dma_start3A_214] : memref<512x128xf32, #tpu.memory_space<vmem>> -> memref<128x128xf32, #tpu.memory_space<vmem>>
      tpu.enqueue_dma source(%dma_start3A_215 : memref<128x128xf32, #tpu.memory_space<vmem>>) target(%dma_start3A_212 : memref<128x128xf32, #tpu.memory_space<hbm>>) target_semaphore(%arg18 : memref<!tpu.dma_semaphore, #tpu.memory_space<semaphore_mem>>)
      %dma_wait3A_216 = arith.constant 128 : i32
      %dma_wait3A_217 = arith.constant 0 : i32
      %dma_wait3A_218 = tpu.memref_slice %arg9[%dma_wait3A_216, %dma_wait3A_217] : memref<512x128xf32, #tpu.memory_space<vmem>> -> memref<64x128xf32, #tpu.memory_space<vmem>>
      %dma_wait3A_219 = tpu.memref_slice %arg7[%mul3A_108] : memref<8192xi32, #tpu.memory_space<vmem>> -> memref<64xi32, #tpu.memory_space<vmem>>
      %dma_wait3A_220 = arith.constant 0 : i32
      %dma_wait3A_221 = arith.constant 0 : i32
      %dma_wait3A_222 = tpu.memref_slice %arg8[%dma_wait3A_220, %dma_wait3A_221] : memref<65x128xf32, #tpu.memory_space<vmem_shared>> -> memref<65x128xf32, #tpu.memory_space<vmem_shared>>
      tpu.wait_indirect_dma semaphore(%arg12 : memref<!tpu.dma_semaphore, #tpu.memory_space<semaphore_mem>>) src(%dma_wait3A_222 : memref<65x128xf32, #tpu.memory_space<vmem_shared>>) dst(%dma_wait3A_218 : memref<64x128xf32, #tpu.memory_space<vmem>>)
      %dma_wait3A_223 = arith.constant 192 : i32
      %dma_wait3A_224 = arith.constant 0 : i32
      %dma_wait3A_225 = tpu.memref_slice %arg9[%dma_wait3A_223, %dma_wait3A_224] : memref<512x128xf32, #tpu.memory_space<vmem>> -> memref<64x128xf32, #tpu.memory_space<vmem>>
      %dma_wait3A_226 = tpu.memref_slice %arg7[%mul3A_119] : memref<8192xi32, #tpu.memory_space<vmem>> -> memref<64xi32, #tpu.memory_space<vmem>>
      %dma_wait3A_227 = arith.constant 0 : i32
      %dma_wait3A_228 = arith.constant 0 : i32
      %dma_wait3A_229 = tpu.memref_slice %arg8[%dma_wait3A_227, %dma_wait3A_228] : memref<65x128xf32, #tpu.memory_space<vmem_shared>> -> memref<65x128xf32, #tpu.memory_space<vmem_shared>>
      tpu.wait_indirect_dma semaphore(%arg13 : memref<!tpu.dma_semaphore, #tpu.memory_space<semaphore_mem>>) src(%dma_wait3A_229 : memref<65x128xf32, #tpu.memory_space<vmem_shared>>) dst(%dma_wait3A_225 : memref<64x128xf32, #tpu.memory_space<vmem>>)
      %add3A_230 = arith.constant 2 : i32
      %add3A_231 = arith.addi %add3A_73, %add3A_230 : i32
      %mul3A_232 = arith.constant 64 : i32
      %mul3A_233 = arith.muli %add3A_231, %mul3A_232 : i32
      %add3A_234 = arith.addi %mul3A_2, %mul3A_233 : i32
      %dma_start3A_235 = arith.constant 128 : i32
      %dma_start3A_236 = arith.constant 0 : i32
      %dma_start3A_237 = tpu.memref_slice %arg9[%dma_start3A_235, %dma_start3A_236] : memref<512x128xf32, #tpu.memory_space<vmem>> -> memref<128x128xf32, #tpu.memory_space<vmem>>
      %dma_start3A_238 = arith.constant 0 : i32
      %dma_start3A_239 = tpu.memref_slice %arg5[%add3A_234, %dma_start3A_238] : memref<262144x128xf32, #tpu.memory_space<hbm>> -> memref<128x128xf32, #tpu.memory_space<hbm>>
      %dma_start3A_240 = arith.constant 0 : i32
      %dma_start3A_241 = tpu.memref_slice %arg5[%add3A_234, %dma_start3A_240] : memref<262144x128xf32, #tpu.memory_space<hbm>> -> memref<128x128xf32, #tpu.memory_space<hbm>>
      %dma_start3A_242 = arith.constant 128 : i32
      %dma_start3A_243 = arith.constant 0 : i32
      %dma_start3A_244 = tpu.memref_slice %arg9[%dma_start3A_242, %dma_start3A_243] : memref<512x128xf32, #tpu.memory_space<vmem>> -> memref<128x128xf32, #tpu.memory_space<vmem>>
      tpu.enqueue_dma source(%dma_start3A_244 : memref<128x128xf32, #tpu.memory_space<vmem>>) target(%dma_start3A_241 : memref<128x128xf32, #tpu.memory_space<hbm>>) target_semaphore(%arg19 : memref<!tpu.dma_semaphore, #tpu.memory_space<semaphore_mem>>)
      %dma_wait3A_245 = arith.constant 256 : i32
      %dma_wait3A_246 = arith.constant 0 : i32
      %dma_wait3A_247 = tpu.memref_slice %arg9[%dma_wait3A_245, %dma_wait3A_246] : memref<512x128xf32, #tpu.memory_space<vmem>> -> memref<64x128xf32, #tpu.memory_space<vmem>>
      %dma_wait3A_248 = tpu.memref_slice %arg7[%mul3A_135] : memref<8192xi32, #tpu.memory_space<vmem>> -> memref<64xi32, #tpu.memory_space<vmem>>
      %dma_wait3A_249 = arith.constant 0 : i32
      %dma_wait3A_250 = arith.constant 0 : i32
      %dma_wait3A_251 = tpu.memref_slice %arg8[%dma_wait3A_249, %dma_wait3A_250] : memref<65x128xf32, #tpu.memory_space<vmem_shared>> -> memref<65x128xf32, #tpu.memory_space<vmem_shared>>
      tpu.wait_indirect_dma semaphore(%arg14 : memref<!tpu.dma_semaphore, #tpu.memory_space<semaphore_mem>>) src(%dma_wait3A_251 : memref<65x128xf32, #tpu.memory_space<vmem_shared>>) dst(%dma_wait3A_247 : memref<64x128xf32, #tpu.memory_space<vmem>>)
      %dma_wait3A_252 = arith.constant 320 : i32
      %dma_wait3A_253 = arith.constant 0 : i32
      %dma_wait3A_254 = tpu.memref_slice %arg9[%dma_wait3A_252, %dma_wait3A_253] : memref<512x128xf32, #tpu.memory_space<vmem>> -> memref<64x128xf32, #tpu.memory_space<vmem>>
      %dma_wait3A_255 = tpu.memref_slice %arg7[%mul3A_146] : memref<8192xi32, #tpu.memory_space<vmem>> -> memref<64xi32, #tpu.memory_space<vmem>>
      %dma_wait3A_256 = arith.constant 0 : i32
      %dma_wait3A_257 = arith.constant 0 : i32
      %dma_wait3A_258 = tpu.memref_slice %arg8[%dma_wait3A_256, %dma_wait3A_257] : memref<65x128xf32, #tpu.memory_space<vmem_shared>> -> memref<65x128xf32, #tpu.memory_space<vmem_shared>>
      tpu.wait_indirect_dma semaphore(%arg15 : memref<!tpu.dma_semaphore, #tpu.memory_space<semaphore_mem>>) src(%dma_wait3A_258 : memref<65x128xf32, #tpu.memory_space<vmem_shared>>) dst(%dma_wait3A_254 : memref<64x128xf32, #tpu.memory_space<vmem>>)
      %add3A_259 = arith.constant 4 : i32
      %add3A_260 = arith.addi %add3A_73, %add3A_259 : i32
      %mul3A_261 = arith.constant 64 : i32
      %mul3A_262 = arith.muli %add3A_260, %mul3A_261 : i32
      %add3A_263 = arith.addi %mul3A_2, %mul3A_262 : i32
      %dma_start3A_264 = arith.constant 256 : i32
      %dma_start3A_265 = arith.constant 0 : i32
      %dma_start3A_266 = tpu.memref_slice %arg9[%dma_start3A_264, %dma_start3A_265] : memref<512x128xf32, #tpu.memory_space<vmem>> -> memref<128x128xf32, #tpu.memory_space<vmem>>
      %dma_start3A_267 = arith.constant 0 : i32
      %dma_start3A_268 = tpu.memref_slice %arg5[%add3A_263, %dma_start3A_267] : memref<262144x128xf32, #tpu.memory_space<hbm>> -> memref<128x128xf32, #tpu.memory_space<hbm>>
      %dma_start3A_269 = arith.constant 0 : i32
      %dma_start3A_270 = tpu.memref_slice %arg5[%add3A_263, %dma_start3A_269] : memref<262144x128xf32, #tpu.memory_space<hbm>> -> memref<128x128xf32, #tpu.memory_space<hbm>>
      %dma_start3A_271 = arith.constant 256 : i32
      %dma_start3A_272 = arith.constant 0 : i32
      %dma_start3A_273 = tpu.memref_slice %arg9[%dma_start3A_271, %dma_start3A_272] : memref<512x128xf32, #tpu.memory_space<vmem>> -> memref<128x128xf32, #tpu.memory_space<vmem>>
      tpu.enqueue_dma source(%dma_start3A_273 : memref<128x128xf32, #tpu.memory_space<vmem>>) target(%dma_start3A_270 : memref<128x128xf32, #tpu.memory_space<hbm>>) target_semaphore(%arg20 : memref<!tpu.dma_semaphore, #tpu.memory_space<semaphore_mem>>)
      %dma_wait3A_274 = arith.constant 384 : i32
      %dma_wait3A_275 = arith.constant 0 : i32
      %dma_wait3A_276 = tpu.memref_slice %arg9[%dma_wait3A_274, %dma_wait3A_275] : memref<512x128xf32, #tpu.memory_space<vmem>> -> memref<64x128xf32, #tpu.memory_space<vmem>>
      %dma_wait3A_277 = tpu.memref_slice %arg7[%mul3A_162] : memref<8192xi32, #tpu.memory_space<vmem>> -> memref<64xi32, #tpu.memory_space<vmem>>
      %dma_wait3A_278 = arith.constant 0 : i32
      %dma_wait3A_279 = arith.constant 0 : i32
      %dma_wait3A_280 = tpu.memref_slice %arg8[%dma_wait3A_278, %dma_wait3A_279] : memref<65x128xf32, #tpu.memory_space<vmem_shared>> -> memref<65x128xf32, #tpu.memory_space<vmem_shared>>
      tpu.wait_indirect_dma semaphore(%arg16 : memref<!tpu.dma_semaphore, #tpu.memory_space<semaphore_mem>>) src(%dma_wait3A_280 : memref<65x128xf32, #tpu.memory_space<vmem_shared>>) dst(%dma_wait3A_276 : memref<64x128xf32, #tpu.memory_space<vmem>>)
      %dma_wait3A_281 = arith.constant 448 : i32
      %dma_wait3A_282 = arith.constant 0 : i32
      %dma_wait3A_283 = tpu.memref_slice %arg9[%dma_wait3A_281, %dma_wait3A_282] : memref<512x128xf32, #tpu.memory_space<vmem>> -> memref<64x128xf32, #tpu.memory_space<vmem>>
      %dma_wait3A_284 = tpu.memref_slice %arg7[%mul3A_173] : memref<8192xi32, #tpu.memory_space<vmem>> -> memref<64xi32, #tpu.memory_space<vmem>>
      %dma_wait3A_285 = arith.constant 0 : i32
      %dma_wait3A_286 = arith.constant 0 : i32
      %dma_wait3A_287 = tpu.memref_slice %arg8[%dma_wait3A_285, %dma_wait3A_286] : memref<65x128xf32, #tpu.memory_space<vmem_shared>> -> memref<65x128xf32, #tpu.memory_space<vmem_shared>>
      tpu.wait_indirect_dma semaphore(%arg17 : memref<!tpu.dma_semaphore, #tpu.memory_space<semaphore_mem>>) src(%dma_wait3A_287 : memref<65x128xf32, #tpu.memory_space<vmem_shared>>) dst(%dma_wait3A_283 : memref<64x128xf32, #tpu.memory_space<vmem>>)
      %add3A_288 = arith.constant 6 : i32
      %add3A_289 = arith.addi %add3A_73, %add3A_288 : i32
      %mul3A_290 = arith.constant 64 : i32
      %mul3A_291 = arith.muli %add3A_289, %mul3A_290 : i32
      %add3A_292 = arith.addi %mul3A_2, %mul3A_291 : i32
      %dma_start3A_293 = arith.constant 384 : i32
      %dma_start3A_294 = arith.constant 0 : i32
      %dma_start3A_295 = tpu.memref_slice %arg9[%dma_start3A_293, %dma_start3A_294] : memref<512x128xf32, #tpu.memory_space<vmem>> -> memref<128x128xf32, #tpu.memory_space<vmem>>
      %dma_start3A_296 = arith.constant 0 : i32
      %dma_start3A_297 = tpu.memref_slice %arg5[%add3A_292, %dma_start3A_296] : memref<262144x128xf32, #tpu.memory_space<hbm>> -> memref<128x128xf32, #tpu.memory_space<hbm>>
      %dma_start3A_298 = arith.constant 0 : i32
      %dma_start3A_299 = tpu.memref_slice %arg5[%add3A_292, %dma_start3A_298] : memref<262144x128xf32, #tpu.memory_space<hbm>> -> memref<128x128xf32, #tpu.memory_space<hbm>>
      %dma_start3A_300 = arith.constant 384 : i32
      %dma_start3A_301 = arith.constant 0 : i32
      %dma_start3A_302 = tpu.memref_slice %arg9[%dma_start3A_300, %dma_start3A_301] : memref<512x128xf32, #tpu.memory_space<vmem>> -> memref<128x128xf32, #tpu.memory_space<vmem>>
      tpu.enqueue_dma source(%dma_start3A_302 : memref<128x128xf32, #tpu.memory_space<vmem>>) target(%dma_start3A_299 : memref<128x128xf32, #tpu.memory_space<hbm>>) target_semaphore(%arg21 : memref<!tpu.dma_semaphore, #tpu.memory_space<semaphore_mem>>)
    }
    %scan3A_20 = arith.constant 16 : i32
    %dma_wait3A_21 = arith.constant 0 : i32
    %dma_wait3A_22 = arith.constant 0 : i32
    %dma_wait3A_23 = tpu.memref_slice %arg9[%dma_wait3A_21, %dma_wait3A_22] : memref<512x128xf32, #tpu.memory_space<vmem>> -> memref<128x128xf32, #tpu.memory_space<vmem>>
    %dma_wait3A_24 = arith.constant 0 : i32
    %dma_wait3A_25 = arith.constant 0 : i32
    %dma_wait3A_26 = tpu.memref_slice %arg5[%dma_wait3A_24, %dma_wait3A_25] : memref<262144x128xf32, #tpu.memory_space<hbm>> -> memref<128x128xf32, #tpu.memory_space<hbm>>
    %dma_wait3A_27 = arith.constant 0 : i32
    %dma_wait3A_28 = arith.constant 0 : i32
    %dma_wait3A_29 = tpu.memref_slice %arg5[%dma_wait3A_27, %dma_wait3A_28] : memref<262144x128xf32, #tpu.memory_space<hbm>> -> memref<128x128xf32, #tpu.memory_space<hbm>>
    %dma_wait3A_30 = arith.constant 0 : i32
    %dma_wait3A_31 = arith.constant 0 : i32
    %dma_wait3A_32 = tpu.memref_slice %arg9[%dma_wait3A_30, %dma_wait3A_31] : memref<512x128xf32, #tpu.memory_space<vmem>> -> memref<128x128xf32, #tpu.memory_space<vmem>>
    tpu.wait_dma2 semaphore(%arg18 : memref<!tpu.dma_semaphore, #tpu.memory_space<semaphore_mem>>) src(%dma_wait3A_32 : memref<128x128xf32, #tpu.memory_space<vmem>>) dst(%dma_wait3A_29 : memref<128x128xf32, #tpu.memory_space<hbm>>)
    %dma_wait3A_33 = arith.constant 0 : i32
    %dma_wait3A_34 = arith.constant 0 : i32
    %dma_wait3A_35 = tpu.memref_slice %arg9[%dma_wait3A_33, %dma_wait3A_34] : memref<512x128xf32, #tpu.memory_space<vmem>> -> memref<128x128xf32, #tpu.memory_space<vmem>>
    %dma_wait3A_36 = arith.constant 0 : i32
    %dma_wait3A_37 = arith.constant 0 : i32
    %dma_wait3A_38 = tpu.memref_slice %arg5[%dma_wait3A_36, %dma_wait3A_37] : memref<262144x128xf32, #tpu.memory_space<hbm>> -> memref<128x128xf32, #tpu.memory_space<hbm>>
    %dma_wait3A_39 = arith.constant 0 : i32
    %dma_wait3A_40 = arith.constant 0 : i32
    %dma_wait3A_41 = tpu.memref_slice %arg5[%dma_wait3A_39, %dma_wait3A_40] : memref<262144x128xf32, #tpu.memory_space<hbm>> -> memref<128x128xf32, #tpu.memory_space<hbm>>
    %dma_wait3A_42 = arith.constant 0 : i32
    %dma_wait3A_43 = arith.constant 0 : i32
    %dma_wait3A_44 = tpu.memref_slice %arg9[%dma_wait3A_42, %dma_wait3A_43] : memref<512x128xf32, #tpu.memory_space<vmem>> -> memref<128x128xf32, #tpu.memory_space<vmem>>
    tpu.wait_dma2 semaphore(%arg19 : memref<!tpu.dma_semaphore, #tpu.memory_space<semaphore_mem>>) src(%dma_wait3A_44 : memref<128x128xf32, #tpu.memory_space<vmem>>) dst(%dma_wait3A_41 : memref<128x128xf32, #tpu.memory_space<hbm>>)
    %dma_wait3A_45 = arith.constant 0 : i32
    %dma_wait3A_46 = arith.constant 0 : i32
    %dma_wait3A_47 = tpu.memref_slice %arg9[%dma_wait3A_45, %dma_wait3A_46] : memref<512x128xf32, #tpu.memory_space<vmem>> -> memref<128x128xf32, #tpu.memory_space<vmem>>
    %dma_wait3A_48 = arith.constant 0 : i32
    %dma_wait3A_49 = arith.constant 0 : i32
    %dma_wait3A_50 = tpu.memref_slice %arg5[%dma_wait3A_48, %dma_wait3A_49] : memref<262144x128xf32, #tpu.memory_space<hbm>> -> memref<128x128xf32, #tpu.memory_space<hbm>>
    %dma_wait3A_51 = arith.constant 0 : i32
    %dma_wait3A_52 = arith.constant 0 : i32
    %dma_wait3A_53 = tpu.memref_slice %arg5[%dma_wait3A_51, %dma_wait3A_52] : memref<262144x128xf32, #tpu.memory_space<hbm>> -> memref<128x128xf32, #tpu.memory_space<hbm>>
    %dma_wait3A_54 = arith.constant 0 : i32
    %dma_wait3A_55 = arith.constant 0 : i32
    %dma_wait3A_56 = tpu.memref_slice %arg9[%dma_wait3A_54, %dma_wait3A_55] : memref<512x128xf32, #tpu.memory_space<vmem>> -> memref<128x128xf32, #tpu.memory_space<vmem>>
    tpu.wait_dma2 semaphore(%arg20 : memref<!tpu.dma_semaphore, #tpu.memory_space<semaphore_mem>>) src(%dma_wait3A_56 : memref<128x128xf32, #tpu.memory_space<vmem>>) dst(%dma_wait3A_53 : memref<128x128xf32, #tpu.memory_space<hbm>>)
    %dma_wait3A_57 = arith.constant 0 : i32
    %dma_wait3A_58 = arith.constant 0 : i32
    %dma_wait3A_59 = tpu.memref_slice %arg9[%dma_wait3A_57, %dma_wait3A_58] : memref<512x128xf32, #tpu.memory_space<vmem>> -> memref<128x128xf32, #tpu.memory_space<vmem>>
    %dma_wait3A_60 = arith.constant 0 : i32
    %dma_wait3A_61 = arith.constant 0 : i32
    %dma_wait3A_62 = tpu.memref_slice %arg5[%dma_wait3A_60, %dma_wait3A_61] : memref<262144x128xf32, #tpu.memory_space<hbm>> -> memref<128x128xf32, #tpu.memory_space<hbm>>
    %dma_wait3A_63 = arith.constant 0 : i32
    %dma_wait3A_64 = arith.constant 0 : i32
    %dma_wait3A_65 = tpu.memref_slice %arg5[%dma_wait3A_63, %dma_wait3A_64] : memref<262144x128xf32, #tpu.memory_space<hbm>> -> memref<128x128xf32, #tpu.memory_space<hbm>>
    %dma_wait3A_66 = arith.constant 0 : i32
    %dma_wait3A_67 = arith.constant 0 : i32
    %dma_wait3A_68 = tpu.memref_slice %arg9[%dma_wait3A_66, %dma_wait3A_67] : memref<512x128xf32, #tpu.memory_space<vmem>> -> memref<128x128xf32, #tpu.memory_space<vmem>>
    tpu.wait_dma2 semaphore(%arg21 : memref<!tpu.dma_semaphore, #tpu.memory_space<semaphore_mem>>) src(%dma_wait3A_68 : memref<128x128xf32, #tpu.memory_space<vmem>>) dst(%dma_wait3A_65 : memref<128x128xf32, #tpu.memory_space<hbm>>)
    return
  }
}

</mosaic_0001>

<sc_bundles>
// kernel: kernel.3.cloned.1.call-start
scs
__scs_entry_jumppad:
0x0: {  	(pc) =	sbr.rel $0x88, $3  }
0x1: {  	(tag) =	ssettag $0x0;
	lr =	simm.s32 $0x1  }
0x2: {  	[smem:$0x3F9E] =	sst lr;
	_ =	strace $0xD0000000  }
0x3: {  	_ = 	snop  }
0x4: {  	_ = 	snop  }
0x5: {  	_ = 	snop  }
0x6: {  	_ = 	snop  }
0x7: {  	_ = 	snop  }
__scs_overlays_trampoline_lowered:
0x8: {  	[smem:$0x3FAD] =	sst s0  }
0x9: {  	[smem:$0x3FAE] =	sst s1  }
0xa: {  	[smem:$0x3FAF] =	sst s2  }
0xb: {  	[smem:$0x3FB0] =	sst s3  }
0xc: {  	[smem:$0x3FB1] =	sst s4  }
0xd: {  	[smem:$0x3FB2] =	sst s5  }
0xe: {  	[smem:$0x3FB3] =	sst s6  }
0xf: {  	[smem:$0x3FB4] =	sst s7  }
0x10: {  	[smem:$0x3FB5] =	sst s8  }
0x11: {  	[smem:$0x3FB6] =	sst s9;
	s0 =	simm.s32 @!p0 $0x0  }
0x12: {  	s1 =	sld [smem:$0x3F9C];
	s0 =	simm.s32 @p0 $0x1  }
0x13: {  	[smem:$0x3FB7] =	sst s0;
	s0 =	simm.s32 @!p1 $0x0  }
0x14: {  	s2 =	sld [smem:$0x3F9B];
	s0 =	simm.s32 @p1 $0x1  }
0x15: {  	[smem:$0x3FB8] =	sst s0;
	s0 =	simm.s32 @!p2 $0x0  }
0x16: {  	s3 =	sld [smem:$0x3FDB];
	s0 =	simm.s32 @p2 $0x1  }
0x17: {  	s4 =	simm.s32 $0x1BF5;
	[smem:$0x3FBA] =	sst s0  }
0x18: {  	s0 =	sld [smem:$0x3F9D];
	_ =	swait.ge [sflag:s4], $0x0  }
0x19: {  	s7 =	sld [smem:$0x3F9E]  }
0x1a: {  	s8 =	sadd.s32 $0xFFFFE003, lr  }
0x1b: {  	s9 =	sadd.s32 $0xFFFFFEF7, lr;
	s5 =	simm.s32 $0xFFFFFFFF;
	p2 =	slt.u32 s8, $0xFFFFF086  }
0x1c: {  	p1 =	slt.u32 s9, $0xF7A;
	s5 =	simm.s32 @!p2 $0x0  }
0x1d: {  	s5 =	simm.s32 @p1 $0x1;
	p0 =	seq.s32 s7, s2  }
0x1e: {  	s7 =	smul.u32 @!p0 $0xF7A, s2;
	p2 =	seq.s32 @!p0 s5, $0x0  }
0x1f: {  	s9 =	smul.u32 $0xF7A, s1;
	s8 =	simm.s32 @!p0 $0x1BF5;
	p2 =	por !p2, p0  }
0x20: {  	[sflag:s8] =	ssyncset.s32 @!p0 $0xFFFFF086;
	s6 =	sadd.s32 @!p0 s3, s7;
	s7 =	simm.s32 @!p0 $0x108  }
0x21: {  	s3 =	sadd.s32 s3, s9;
	s6 =	sadd.s32 @!p0 $0x88, s6;
	s7 =	simm.s32 @p2 $0x1082  }
0x22: {  	[simem:s7], [sflag:s8] =	dma.local @!p0 [hbm:s6], $0xF7A  }
0x23: {  	s9 =	sor.u32 $0xD0000000, s2;
	s6 =	simm.s32 $0x108;
	_ =	swait.ge @!p0 [sflag:s8], $0x0  }
0x24: {  	s3 =	sadd.s32 $0x88, s3;
	s6 =	simm.s32 @!p1 $0x1082;
	[sflag:s4] =	ssyncset.s32 $0xFFFFF086  }
0x25: {  	[simem:s6], [sflag:s4] =	dma.local [hbm:s3], $0xF7A  }
0x26: {  	[smem:$0x3F9E] =	sst s1;
	(tag) =	ssettag s2;
	_ =	strace s9  }
0x27: {  	s1 =	sld [smem:$0x3FAE]  }
0x28: {  	s2 =	sld [smem:$0x3FAF]  }
0x29: {  	s4 =	sld [smem:$0x3FB1]  }
0x2a: {  	p0 =	seq.s32 s5, $0x0;
	s5 =	sld [smem:$0x3FB2]  }
0x2b: {  	s6 =	sld [smem:$0x3FB3]  }
0x2c: {  	s7 =	sld [smem:$0x3FB4]  }
0x2d: {  	s3 =	simm.s32 $0x108;
	s8 =	sld [smem:$0x3FB5]  }
0x2e: {  	s3 =	simm.s32 @!p0 $0x1082;
	s9 =	sld [smem:$0x3FB6]  }
0x2f: {  	lr =	sadd.s32 s0, s3;
	s0 =	sld [smem:$0x3FAD]  }
0x30: {  	s3 =	sld [smem:$0x3FB0]  }
0x31: {  	[smem:$0x3FB9] =	sst s10  }
0x32: {  	s10 =	sld [smem:$0x3FB7];
	_ =	sdelay $0x3  }
0x33: {  	p0 =	seq.s32 s10, $0x1;
	s10 =	sld [smem:$0x3FB9];
	_ =	sdelay $0x3  }
0x34: {  	[smem:$0x3FB9] =	sst s10  }
0x35: {  	s10 =	sld [smem:$0x3FB8];
	_ =	sdelay $0x3  }
0x36: {  	p1 =	seq.s32 s10, $0x1;
	s10 =	sld [smem:$0x3FB9];
	_ =	sdelay $0x3  }
0x37: {  	[smem:$0x3FB9] =	sst s10  }
0x38: {  	s10 =	sld [smem:$0x3FBA]  }
0x39: {  	_ = 	snop;
	(pc) =	sbr.ind lr, $3  }
0x3a: {  	_ = 	snop  }
0x3b: {  	_ = 	snop  }
0x3c: {  	p2 =	seq.s32 s10, $0x1;
	s10 =	sld [smem:$0x3FB9]  }
0x3d: {  	_ =	shalt  }
0x3e: {  	_ =	shalt  }
0x3f: {  	_ =	shalt  }
0x40: {  	_ =	shalt  }
0x41: {  	_ =	shalt  }
0x42: {  	_ =	shalt  }
0x43: {  	_ =	shalt  }
0x44: {  	_ =	shalt  }
0x45: {  	_ =	shalt  }
0x46: {  	_ =	shalt  }
0x47: {  	_ =	shalt  }
0x48: {  	_ =	shalt  }
0x49: {  	_ =	shalt  }
0x4a: {  	_ =	shalt  }
0x4b: {  	_ =	shalt  }
0x4c: {  	_ =	shalt  }
0x4d: {  	_ =	shalt  }
0x4e: {  	_ =	shalt  }
0x4f: {  	_ =	shalt  }
0x50: {  	_ =	shalt  }
0x51: {  	_ =	shalt  }
0x52: {  	_ =	shalt  }
0x53: {  	_ =	shalt  }
0x54: {  	_ =	shalt  }
0x55: {  	_ =	shalt  }
0x56: {  	_ =	shalt  }
0x57: {  	_ =	shalt  }
0x58: {  	_ =	shalt  }
0x59: {  	_ =	shalt  }
0x5a: {  	_ =	shalt  }
0x5b: {  	_ =	shalt  }
0x5c: {  	_ =	shalt  }
0x5d: {  	_ =	shalt  }
0x5e: {  	_ =	shalt  }
0x5f: {  	_ =	shalt  }
0x60: {  	_ =	shalt  }
0x61: {  	_ =	shalt  }
0x62: {  	_ =	shalt  }
0x63: {  	_ =	shalt  }
0x64: {  	_ =	shalt  }
0x65: {  	_ =	shalt  }
0x66: {  	_ =	shalt  }
0x67: {  	_ =	shalt  }
0x68: {  	_ =	shalt  }
0x69: {  	_ =	shalt  }
0x6a: {  	_ =	shalt  }
0x6b: {  	_ =	shalt  }
0x6c: {  	_ =	shalt  }
0x6d: {  	_ =	shalt  }
0x6e: {  	_ =	shalt  }
0x6f: {  	_ =	shalt  }
0x70: {  	_ =	shalt  }
0x71: {  	_ =	shalt  }
0x72: {  	_ =	shalt  }
0x73: {  	_ =	shalt  }
0x74: {  	_ =	shalt  }
0x75: {  	_ =	shalt  }
0x76: {  	_ =	shalt  }
0x77: {  	_ =	shalt  }
0x78: {  	_ =	shalt  }
0x79: {  	_ =	shalt  }
0x7a: {  	_ =	shalt  }
0x7b: {  	_ =	shalt  }
0x7c: {  	_ =	shalt  }
0x7d: {  	_ =	shalt  }
0x7e: {  	_ =	shalt  }
0x7f: {  	_ =	shalt  }
0x80: {  	_ =	shalt  }
0x81: {  	_ =	shalt  }
0x82: {  	_ =	shalt  }
0x83: {  	_ =	shalt  }
0x84: {  	_ =	shalt  }
0x85: {  	_ =	shalt  }
0x86: {  	_ =	shalt  }
0x87: {  	_ =	shalt  }
.Lfunc_end0:
.L_simem_size_0:
called_computation_lowered:
.L_overlay_start_0:
0x88: {  	s2 =	sld [smem:$0x3FD9]  }
0x89: {  	s3 =	sld [smem:$0x3FFE];
	_ =	sdelay $0x1  }
0x8a: {  	s1 =	srdreg.scid  }
0x8b: {  	s0 =	sand.u32 $0x1, s1  }
0x8c: {  	s17 =	sshll.u32 s0, $0xA;
	s2 =	sadd.s32 s3, s2  }
0x8d: {  	s2 =	sadd.s32 s2, s17  }
0x8e: {  	[smem:$0x3FC5] =	sst s2  }
0x8f: {  	_ = 	snop  }
0x90: {  	s2 =	sld [smem:$0x3FC7]  }
0x91: {  	s18 =	sld [smem:$0x3FD0];
	(tm) =	ssettm $0x1  }
0x92: {  	s4 =	sld [smem:$0x3FFB];
	_ =	sdelay $0x3  }
0x93: {  	_ =	strace s4  }
0x94: {  	s4 =	sld [smem:$0x3FFC];
	_ =	sdelay $0x3  }
0x95: {  	_ =	strace s4  }
0x96: {  	s4 =	sld [smem:$0x3FFD];
	_ =	sdelay $0x3  }
0x97: {  	_ =	strace s4  }
0x98: {  	_ =	strace $0x8FFFFFFF  }
0x99: {  	s19 =	sld [smem:$0x3FDB];
	_ =	sdelay $0x1  }
0x9a: {  	s5 =	simm.s32 $_scs_section_size  }
0x9b: {  	s6 =	simm.s32 $_size__tile_overlayer_lowered;
	s7 =	simm.s32 $_tile_overlayer_lowered  }
0x9c: {  	s22 =	simm.s32 $0x1BFF;
	s21 =	sshll.u32 s7, $0x1;
	s4 =	sadd.s32 s5, s19  }
0x9d: {  	s8 =	simm.s32 $0x0;
	s20 =	sshll.u32 s6, $0x1;
	s6 =	sadd.s32 s21, s4  }
0x9e: {  	[timem:s8], [sflag:s22] =	dma.local [hbm:s6], s20  }
0x9f: {  	_ =	swait.ge [sflag:s22], s20  }
0xa0: {  	s5 =	ssub.s32 $0x0, s20;
	[sflag:s22] =	ssyncset.done $0x0  }
0xa1: {  	[sflag:s22] =	ssyncadd.s32 s5;
	_ =	sdelay $0x1  }
0xa2: {  	s23 =	simm.s32 $0x1B8B  }
0xa3: {  	_ =	swait.ge [sflag:s23], $0x1  }
0xa4: {  	[sflag:s23] =	ssyncset.done $0x0  }
0xa5: {  	s25 =	simm.s32 $0x1B8E;
	s24 =	sld [smem:$0x3FFE];
	[sflag:s23] =	ssyncadd.s32 $0xFFFFFFFF  }
0xa6: {  	s26 =	simm.s32 $execute0_lowered;
	[smem:$0x3FD2] =	sst s25  }
0xa7: {  	s6 =	sshll.u32 s26, $0x1;
	_ =	strace $0x80000046;
	[dreg:$0x1] =	wrdreg $0xFFFFFFFF  }
0xa8: {  	s28 =	simm.s32 $_size_execute0_lowered;
	s4 =	sadd.s32 s4, s6;
	[dreg:$0x0] =	wrdreg $0x0  }
0xa9: {  	s6 =	sshll.u32 s28, $0x1;
	[dreg:$0x2] =	wrdreg s4  }
0xaa: {  	[dreg:$0x3] =	wrdreg s6  }
0xab: {  	[dreg:$0x4] =	wrdreg $0xC0  }
0xac: {  	_ =	task [dreg:s8], $0x5FFFF  }
0xad: {  	[dreg:$0x1] =	wrdreg $0xFFFFFFFF  }
0xae: {  	[dreg:$0x0] =	wrdreg $0x60  }
0xaf: {  	[dreg:$0x2] =	wrdreg s24  }
0xb0: {  	[dreg:$0x3] =	wrdreg s2  }
0xb1: {  	[dreg:$0x4] =	wrdreg s18  }
0xb2: {  	[dreg:$0x5] =	wrdreg $0x40000  }
0xb3: {  	[dreg:$0x6] =	wrdreg $0x9  }
0xb4: {  	_ =	task.clear_ibuf [dreg:s8], $0x7FFFF;
	_ =	strace $0x90000046  }
0xb5: {  	s29 =	simm.s32 $0x9;
	_ =	strace $0x80000048  }
0xb6: {  	_ =	swait.ge [sflag:s29], $0x1  }
0xb7: {  	[sflag:s29] =	ssyncadd.s32 $0xFFFFFFFF  }
0xb8: {  	_ =	strace $0x90000048  }
0xb9: {  	_ =	sfence  }
0xba: {  	s30 =	sld [smem:$0x0];
	_ =	sdelay $0x2  }
0xbb: {  	s31 =	sshll.u32 s1, $0xD;
	s1 =	sshrl.u32 s1, $0x2  }
0xbc: {  	s3 =	sand.u32 $0x4000, s31;
	s1 =	sadd.s32 s1, s30  }
0xbd: {  	s0 =	sor.u32 s3, s0;
	s1 =	sshll.u32 s1, $0x11  }
0xbe: {  	s0 =	sor.u32 s1, s0  }
0xbf: {  	s0 =	sadd.s32 $0x8F2B, s0  }
0xc0: {  	[sflag:s0] =	ssyncadd.remote.s32 $0x1  }
0xc1: {  	_ =	sfence.sel $0xFFFF  }
0xc2: {  	[dreg:$0x0] =	wrdreg $0xFFFFFFFF;
	(pc) =	sbr.abs _section_cstart, $3  }
0xc3: {  	[dreg:$0x1] =	wrdreg $0xFFFFFFFF  }
0xc4: {  	_ =	task.clear_ibuf [dreg:s8], $0x2FFFF;
	_ =	strace $0x9FFFFFFF  }
0xc5: {  	(tm) =	ssettm $0x7FFFFFFF  }
tec
execute0_lowered:
.L_overlay_start_1:
0x0: {  	(tag) =	ssettag $0x1  }
0x1: {  	s0 =	rddreg [dreg:$0x0];
	s2 =	srdreg.scid  }
0x2: {  	s1 =	rddreg [dreg:$0x2];
	s6 =	stileid.u32  }
0x3: {  	s3 =	rddreg [dreg:$0x3];
	s11 =	simm.s32 $0x1;
	s12 =	simm.s32 $0x2  }
0x4: {  	s13 =	simm.s32 $0x40;
	s14 =	simm.s32 $0x10208;
	s15 =	simm.s32 $0x12208  }
0x5: {  	s16 =	simm.s32 $0x4208;
	s17 =	simm.s32 $0x3;
	s18 =	simm.s32 $0x4  }
0x6: {  	s19 =	simm.s32 $0x8208;
	s20 =	simm.s32 $0x5;
	s21 =	simm.s32 $0x6  }
0x7: {  	s22 =	simm.s32 $0xC208;
	s23 =	simm.s32 $0x7;
	s28 =	simm.s32 $0xB  }
0x8: {  	s29 =	simm.s32 $0xC;
	s30 =	simm.s32 $0x0;
	s2 =	sand.u32 $0x1, s2  }
0x9: {  	s4 =	sshll.u32 s6, $0xE;
	s5 =	sshll.u32 s2, $0xD;
	s2 =	ssub.s32 $0x2, s2  }
0xa: {  	s4 =	sor.u32 s5, s4;
	s5 =	simm.s32 $0x0;
	s24 =	sshrl.u32 s2, $0x1  }
0xb: {  	s7 =	sshrl.u32 s4, $0x3;
	[smem:$0x7FF] =	sst s5;
	s2 =	ssub.s32 s2, s24  }
.Ltmp0:
0xc: {  	s0 =	sadd.s32 s7, s0;
	s26 =	smax.u32 s2, $0x1;
	(pc) =	sbr.rel .LBB2_1-.Ltmp0, $4  }
0xd: {  	_ =	strace $0x80000047;
	s25 =	sadd.s32 $0x400, s0;
	[dreg:$0x7] =	wrdreg s26  }
0xe: {  	p0 =	sne.s32 s6, $0x0;
	s0 =	sadd.s32 $0x8400, s0;
	[dreg:$0x5] =	wrdreg s25  }
0xf: {  	s31 =	simm.s32 $0x0;
	[dreg:$0x6] =	wrdreg s0;
	s0 =	sshrl.u32 @!p0 s3, $0x3  }
0x10: {  	s24 =	simm.s32 $0x8;
	s26 =	simm.s32 $0xA;
	[dreg:$0x8] =	wrdreg s0  }
.LBB2_9:
0x11: {  	s0 =	simm.s32 $0x9  }
0x12: {  	_ =	swait.ge [sflag:s0], $0x4000  }
0x13: {  	[sflag:s0] =	ssyncset.done $0x0  }
0x14: {  	[sflag:s0] =	ssyncadd.s32 $0xFFFFC000  }
0x15: {  	_ =	swait.ge [sflag:s26], $0x4000  }
0x16: {  	[sflag:s26] =	ssyncset.done $0x0  }
0x17: {  	[sflag:s26] =	ssyncadd.s32 $0xFFFFC000  }
0x18: {  	_ =	swait.ge [sflag:s28], $0x4000  }
0x19: {  	[sflag:s28] =	ssyncset.done $0x0  }
0x1a: {  	[sflag:s28] =	ssyncadd.s32 $0xFFFFC000  }
0x1b: {  	_ =	swait.ge [sflag:s29], $0x4000  }
0x1c: {  	s30 =	sadd.s32 $0x1, s30;
	s25 =	rddreg [dreg:$0x7]  }
0x1d: {  	p1 =	sne.s32 s30, s25  }
.Ltmp1:
0x1e: {  	_ = 	snop;
	(pc) =	sbr.rel @!p1 .LBB2_10-.Ltmp1, $3  }
0x1f: {  	_ =	sdelay $0x1  }
0x20: {  	[sflag:s29] =	ssyncset.done $0x0  }
0x21: {  	[sflag:s29] =	ssyncadd.s32 $0xFFFFC000  }
.LBB2_1:
0x22: {  	s2 =	rddreg [dreg:$0x1]  }
0x23: {  	s0 =	simm.s32 @!p0 $0x1C0D;
	s6 =	rddreg [dreg:$0x8]  }
0x24: {  	[spmem:s6], [sflag:s0] =	dma.local @!p0 [hbm:s2], $0x410  }
0x25: {  	s0 =	simm.s32 @!p0 $0xD  }
0x26: {  	_ =	swait.ge @!p0 [sflag:s0], $0x410  }
0x27: {  	[sflag:s0] =	ssyncset.done @!p0 $0x0  }
0x28: {  	s9 =	rddreg [dreg:$0x5];
	[sflag:s0] =	ssyncadd.s32 @!p0 $0xFFFFFBF0  }
0x29: {  	[tilespmem:s5], [sflag:$0x1] =	stream.linear.gather [hbm4b:s9+s5], $0x2000, $0x38;
	[tilespmem:$0x14208] =	vst v63  }
0x2a: {  	s25 =	simm.s32 $0x2000;
	s10 =	rddreg [dreg:$0x6]  }
0x2b: {  	[tilespmem:s25], [sflag:$0x2] =	stream.linear.gather [hbm4b:s10+s5], $0x2000, $0x38;
	[tilespmem:$0x14208] =	vst v63  }
0x2c: {  	_ =	swait.ge [sflag:s11], $0x2000  }
0x2d: {  	[sflag:s11] =	ssyncset.done $0x0  }
0x2e: {  	[sflag:s11] =	ssyncadd.s32 $0xFFFFE000  }
0x2f: {  	_ =	swait.ge [sflag:s12], $0x2000  }
0x30: {  	[sflag:s12] =	ssyncset.done $0x0  }
0x31: {  	[sflag:s12] =	ssyncadd.s32 $0xFFFFE000  }
0x32: {  	s0 =	simm.s32 $0x0;
	[bflag:$0x0] =	sbarrier.arrive $0xFFFF  }
0x33: {  	v0 =	vld [tilespmem:s0+$0x0]  }
0x34: {  	v1 =	vld [tilespmem:s0+$0x2000];
	_ =	sdelay $0x3  }
0x35: {  	v0 =	vadd.s32 $0x1, v0  }
0x36: {  	v0 =	vmul.u32 v0, v1  }
0x37: {  	s6 =	simm.s32 $0x10;
	s2 =	simm.s32 $0x80  }
.LBB2_2:
0x38: {  	p1 =	sne.s32 s2, $0x7C0;
	v1 =	vld [tilespmem:s6+$0x0];
	[tilespmem:s0+$0x2000] =	vst v0;
	s0 =	smov.u32 s6  }
0x39: {  	v0 =	vld [tilespmem:s0+$0x2000];
	_ =	sdelay $0x1  }
.Ltmp2:
0x3a: {  	(pc) =	sbr.rel @p1 .LBB2_2-.Ltmp2, $4  }
0x3b: {  	_ = 	snop  }
0x3c: {  	v1 =	vadd.s32 $0x1, v1  }
0x3d: {  	v0 =	vmul.u32 v1, v0  }
0x3e: {  	s6 =	sshra.s32 s2, $0x2;
	s2 =	sadd.s32 $0x40, s2  }
0x3f: {  	v1 =	vld [tilespmem:s6+$0x0];
	[tilespmem:s0+$0x2000] =	vst v0  }
0x40: {  	v0 =	vld [tilespmem:s6+$0x2000];
	_ =	sdelay $0x2  }
.Ltmp3:
0x41: {  	_ = 	snop;
	(pc) =	sbr.rel .LBB2_4-.Ltmp3, $3  }
0x42: {  	v1 =	vadd.s32 $0x1, v1  }
0x43: {  	v0 =	vmul.u32 v1, v0;
	_ =	sdelay $0x1  }
0x44: {  	s2 =	simm.s32 $0x200;
	s0 =	simm.s32 $0x2200;
	s10 =	simm.s32 $0x0;
	[tilespmem:s6+$0x2000] =	vst v0  }
.LBB2_8:
0x45: {  	_ =	swait.ge [sflag:s11], $0x2000  }
0x46: {  	[sflag:s11] =	ssyncset.done $0x0  }
0x47: {  	[sflag:s11] =	ssyncadd.s32 $0xFFFFE000  }
0x48: {  	s7 =	sadd.s32 s4, s6;
	_ =	swait.ge [sflag:s12], $0x2000  }
0x49: {  	s7 =	sshll.u32 s7, $0x4;
	[sflag:s12] =	ssyncset.done $0x0  }
0x4a: {  	s7 =	sadd.s32 s1, s7;
	[sflag:s12] =	ssyncadd.s32 $0xFFFFE000  }
0x4b: {  	[hbm4b:s7+s5] =	stream.linear.scatter [tilespmem:s16], [sflag:$0x9], $0x4000, $0x38;
	[tilespmem:$0x14208] =	vst v63  }
0x4c: {  	_ =	swait.ge [sflag:s17], $0x2000  }
0x4d: {  	s7 =	sor.u32 @p1 $0x80, s6;
	[sflag:s17] =	ssyncset.done $0x0  }
0x4e: {  	s7 =	simm.s32 @!p1 $0x80;
	[sflag:s17] =	ssyncadd.s32 $0xFFFFE000  }
0x4f: {  	s7 =	sadd.s32 s4, s7;
	_ =	swait.ge [sflag:s18], $0x2000  }
0x50: {  	s7 =	sshll.u32 s7, $0x4;
	[sflag:s18] =	ssyncset.done $0x0  }
0x51: {  	s7 =	sadd.s32 s1, s7;
	[sflag:s18] =	ssyncadd.s32 $0xFFFFE000  }
0x52: {  	[hbm4b:s7+s5] =	stream.linear.scatter [tilespmem:s19], [sflag:$0xA], $0x4000, $0x38;
	[tilespmem:$0x14208] =	vst v63  }
0x53: {  	_ =	swait.ge [sflag:s20], $0x2000  }
0x54: {  	s7 =	sor.u32 @p1 $0x100, s6;
	[sflag:s20] =	ssyncset.done $0x0  }
0x55: {  	s7 =	simm.s32 @!p1 $0x100;
	[sflag:s20] =	ssyncadd.s32 $0xFFFFE000  }
0x56: {  	s7 =	sadd.s32 s4, s7;
	_ =	swait.ge [sflag:s21], $0x2000  }
0x57: {  	s7 =	sshll.u32 s7, $0x4;
	[sflag:s21] =	ssyncset.done $0x0  }
0x58: {  	s7 =	sadd.s32 s1, s7;
	[sflag:s21] =	ssyncadd.s32 $0xFFFFE000  }
0x59: {  	[hbm4b:s7+s5] =	stream.linear.scatter [tilespmem:s22], [sflag:$0xB], $0x4000, $0x38;
	[tilespmem:$0x14208] =	vst v63  }
0x5a: {  	s10 =	sadd.s32 $0x1, s10;
	_ =	swait.ge [sflag:s23], $0x2000  }
0x5b: {  	p1 =	sne.s32 s10, $0x10;
	[sflag:s23] =	ssyncset.done $0x0  }
.Ltmp4:
0x5c: {  	s25 =	sor.u32 $0x180, s6;
	[sflag:s23] =	ssyncadd.s32 $0xFFFFE000;
	(pc) =	sbr.rel @!p1 .LBB2_9-.Ltmp4, $4  }
0x5d: {  	s6 =	sadd.s32 s4, s25;
	_ =	swait.ge [sflag:s24], $0x2000  }
0x5e: {  	s2 =	sadd.s32 $0x200, s2;
	s6 =	sshll.u32 s6, $0x4;
	[sflag:s24] =	ssyncset.done $0x0  }
0x5f: {  	s0 =	sadd.s32 $0x200, s0;
	s6 =	sadd.s32 s1, s6;
	[sflag:s24] =	ssyncadd.s32 $0xFFFFE000  }
0x60: {  	[hbm4b:s6+s5] =	stream.linear.scatter [tilespmem:s14], [sflag:$0xC], $0x4000, $0x38;
	[tilespmem:$0x14208] =	vst v63  }
.LBB2_4:
0x61: {  	p1 =	sne.s32 s10, $0x0  }
0x62: {  	s7 =	simm.s32 @p1 $0x9  }
0x63: {  	_ =	swait.ge @p1 [sflag:s7], $0x4000  }
0x64: {  	s6 =	sshll.u32 s10, $0x9;
	s8 =	simm.s32 @p1 $0x40;
	[sflag:s7] =	ssyncset.done @p1 $0x0  }
0x65: {  	s9 =	simm.s32 @p1 $0x4208;
	[sflag:s7] =	ssyncadd.s32 @p1 $0xFFFFC000;
	s7 =	sadd.s32 @p1 $0x2000, s6  }
0x66: {  	[tilespmem:s9], [sflag:$0x1] =	stream.indirect.gather @p1 [spmem:s3], $0x80, s7, s8, $0xb8;
	[tilespmem:$0x14208] =	vst v63  }
0x67: {  	s7 =	sshll.u32 @p1 s10, $0x9  }
0x68: {  	s7 =	sand.u32 @p1 $0x3FFFFE00, s7  }
0x69: {  	s25 =	simm.s32 @p1 $0x6208;
	s9 =	sadd.s32 @p1 $0x2040, s7  }
0x6a: {  	[tilespmem:s25], [sflag:$0x2] =	stream.indirect.gather @p1 [spmem:s3], $0x80, s9, s8, $0xb8;
	[tilespmem:$0x14208] =	vst v63  }
0x6b: {  	s9 =	simm.s32 @p1 $0xA  }
0x6c: {  	_ =	swait.ge @p1 [sflag:s9], $0x4000  }
0x6d: {  	[sflag:s9] =	ssyncset.done @p1 $0x0  }
0x6e: {  	s25 =	simm.s32 @p1 $0x8208;
	[sflag:s9] =	ssyncadd.s32 @p1 $0xFFFFC000;
	s9 =	sadd.s32 @p1 $0x2080, s6  }
0x6f: {  	[tilespmem:s25], [sflag:$0x3] =	stream.indirect.gather @p1 [spmem:s3], $0x80, s9, s8, $0xb8;
	[tilespmem:$0x14208] =	vst v63  }
0x70: {  	s9 =	sadd.s32 @p1 $0x20C0, s7;
	s25 =	simm.s32 @p1 $0xA208  }
0x71: {  	[tilespmem:s25], [sflag:$0x4] =	stream.indirect.gather @p1 [spmem:s3], $0x80, s9, s8, $0xb8;
	[tilespmem:$0x14208] =	vst v63  }
0x72: {  	s9 =	simm.s32 @p1 $0xB  }
0x73: {  	_ =	swait.ge @p1 [sflag:s9], $0x4000  }
0x74: {  	[sflag:s9] =	ssyncset.done @p1 $0x0  }
0x75: {  	s25 =	simm.s32 @p1 $0xC208;
	[sflag:s9] =	ssyncadd.s32 @p1 $0xFFFFC000;
	s9 =	sadd.s32 @p1 $0x2100, s6  }
0x76: {  	[tilespmem:s25], [sflag:$0x5] =	stream.indirect.gather @p1 [spmem:s3], $0x80, s9, s8, $0xb8;
	[tilespmem:$0x14208] =	vst v63  }
0x77: {  	s9 =	sadd.s32 @p1 $0x2140, s7;
	s25 =	simm.s32 @p1 $0xE208  }
0x78: {  	[tilespmem:s25], [sflag:$0x6] =	stream.indirect.gather @p1 [spmem:s3], $0x80, s9, s8, $0xb8;
	[tilespmem:$0x14208] =	vst v63  }
0x79: {  	s8 =	simm.s32 @p1 $0xC  }
0x7a: {  	_ =	swait.ge @p1 [sflag:s8], $0x4000  }
0x7b: {  	s9 =	simm.s32 @!p1 $0x40;
	[sflag:s8] =	ssyncset.done @p1 $0x0  }
0x7c: {  	s25 =	simm.s32 @!p1 $0x4208;
	[sflag:s8] =	ssyncadd.s32 @p1 $0xFFFFC000;
	s8 =	sadd.s32 @!p1 $0x2000, s6  }
0x7d: {  	[tilespmem:s25], [sflag:$0x1] =	stream.indirect.gather @!p1 [spmem:s3], $0x80, s8, s9, $0xb8;
	[tilespmem:$0x14208] =	vst v63  }
0x7e: {  	s8 =	simm.s32 @!p1 $0x2040;
	s25 =	simm.s32 @!p1 $0x6208  }
0x7f: {  	[tilespmem:s25], [sflag:$0x2] =	stream.indirect.gather @!p1 [spmem:s3], $0x80, s8, s9, $0xb8;
	[tilespmem:$0x14208] =	vst v63  }
0x80: {  	s8 =	simm.s32 @!p1 $0x2080;
	s25 =	simm.s32 @!p1 $0x8208  }
0x81: {  	[tilespmem:s25], [sflag:$0x3] =	stream.indirect.gather @!p1 [spmem:s3], $0x80, s8, s9, $0xb8;
	[tilespmem:$0x14208] =	vst v63  }
0x82: {  	s8 =	simm.s32 @!p1 $0x20C0;
	s25 =	simm.s32 @!p1 $0xA208  }
0x83: {  	[tilespmem:s25], [sflag:$0x4] =	stream.indirect.gather @!p1 [spmem:s3], $0x80, s8, s9, $0xb8;
	[tilespmem:$0x14208] =	vst v63  }
0x84: {  	s8 =	simm.s32 @!p1 $0x2100;
	s25 =	simm.s32 @!p1 $0xC208  }
0x85: {  	[tilespmem:s25], [sflag:$0x5] =	stream.indirect.gather @!p1 [spmem:s3], $0x80, s8, s9, $0xb8;
	[tilespmem:$0x14208] =	vst v63  }
0x86: {  	p2 =	seq.s32 s10, $0xF;
	s8 =	simm.s32 @!p1 $0x2140;
	s25 =	simm.s32 @!p1 $0xE208  }
0x87: {  	[tilespmem:s25], [sflag:$0x6] =	stream.indirect.gather @!p1 [spmem:s3], $0x80, s8, s9, $0xb8;
	[tilespmem:$0x14208] =	vst v63  }
.Ltmp5:
0x88: {  	s7 =	sadd.s32 @p1 $0x2000, s7;
	(pc) =	sbr.rel @p2 .LBB2_8-.Ltmp5, $4  }
0x89: {  	s7 =	simm.s32 @!p1 $0x2000;
	s25 =	sadd.s32 $0x2180, s6  }
0x8a: {  	[tilespmem:s14], [sflag:$0x7] =	stream.indirect.gather [spmem:s3], $0x80, s25, s13, $0xb8;
	[tilespmem:$0x14208] =	vst v63  }
0x8b: {  	s7 =	sadd.s32 $0x1C0, s7  }
0x8c: {  	[tilespmem:s15], [sflag:$0x8] =	stream.indirect.gather [spmem:s3], $0x80, s7, s13, $0xb8;
	[tilespmem:$0x14208] =	vst v63  }
0x8d: {  	s7 =	sshra.s32 s31, $0x2  }
0x8e: {  	s8 =	sadd.s32 s7, s2  }
0x8f: {  	s7 =	sadd.s32 s7, s0;
	v0 =	vld [tilespmem:s8+$0x0]  }
0x90: {  	v1 =	vld [tilespmem:s7+$0x0];
	_ =	sdelay $0x3  }
0x91: {  	v0 =	vadd.s32 $0x1, v0  }
0x92: {  	s25 =	sadd.s32 $0x40, s31;
	v0 =	vmul.u32 v0, v1  }
0x93: {  	s9 =	sshra.s32 s25, $0x2;
	s8 =	sadd.s32 $0x40, s25  }
.LBB2_6:
0x94: {  	p2 =	sne.s32 s8, $0x7C0;
	s25 =	sadd.s32 s9, s2;
	[tilespmem:s7+$0x0] =	vst v0  }
0x95: {  	s7 =	sadd.s32 s9, s0;
	v0 =	vld [tilespmem:s25+$0x0]  }
0x96: {  	v1 =	vld [tilespmem:s7+$0x0];
	_ =	sdelay $0x1  }
.Ltmp6:
0x97: {  	(pc) =	sbr.rel @p2 .LBB2_6-.Ltmp6, $4  }
0x98: {  	_ = 	snop  }
0x99: {  	v0 =	vadd.s32 $0x1, v0  }
0x9a: {  	v0 =	vmul.u32 v0, v1  }
0x9b: {  	s9 =	sshra.s32 s8, $0x2;
	s8 =	sadd.s32 $0x40, s8  }
0x9c: {  	s8 =	sadd.s32 s9, s2;
	[tilespmem:s7+$0x0] =	vst v0  }
0x9d: {  	s25 =	sadd.s32 s9, s0;
	v0 =	vld [tilespmem:s8+$0x0]  }
0x9e: {  	v1 =	vld [tilespmem:s25+$0x0];
	_ =	sdelay $0x2  }
.Ltmp7:
0x9f: {  	_ = 	snop;
	(pc) =	sbr.rel .LBB2_8-.Ltmp7, $3  }
0xa0: {  	v0 =	vadd.s32 $0x1, v0  }
0xa1: {  	v0 =	vmul.u32 v0, v1;
	_ =	sdelay $0x1  }
0xa2: {  	[tilespmem:s25+$0x0] =	vst v0  }
.LBB2_10:
0xa3: {  	_ =	sfence.sel $0x180000  }
0xa4: {  	[bflag:$0x0] =	sbarrier.arrive $0xFFFF  }
0xa5: {  	_ =	strace $0x90000047  }
0xa6: {  	[bflag:$0x2] =	sbarrier.arrive $0xFFFF  }
0xa7: {  	s0 =	rddreg [dreg:$0x4]  }
0xa8: {  	s0 =	sadd.s32 @!p0 $0x100000, s0  }
0xa9: {  	[sflag:s0] =	ssyncadd.tile.s32 @!p0 $0x1;
	_ =	shalt  }
.Lfunc_end2:
_tile_overlayer_lowered:
.L_overlay_start_2:
0xaa: {  	(tag) =	ssettag $0x2  }
0xab: {  	s0 =	rddreg [dreg:$0x0];
	s2 =	stileid.u32  }
0xac: {  	s1 =	rddreg [dreg:$0x1];
	p0 =	sne.s32 s2, $0x0  }
0xad: {  	s3 =	rddreg [dreg:$0x2];
	[bflag:$0x3] =	sbarrier.arrive $0xFFFF;
	s2 =	simm.s32 @!p0 $0x1C0D  }
0xae: {  	[timem:s3], [sflag:s2] =	dma.local @!p0 [hbm:s0], s1  }
0xaf: {  	s0 =	simm.s32 @!p0 $0xD  }
0xb0: {  	_ =	swait.ge @!p0 [sflag:s0], s1  }
0xb1: {  	s1 =	ssub.s32 @!p0 $0x0, s1;
	[sflag:s0] =	ssyncset.done @!p0 $0x0  }
0xb2: {  	[sflag:s0] =	ssyncadd.s32 @!p0 s1  }
0xb3: {  	[bflag:$0x3] =	sbarrier.arrive $0xFFFF  }
0xb4: {  	_ =	shalt  }

</sc_bundles>
